<compile_context>
chip_gen: v7x
topology: tpu7x:2x2x1
jax: 0.10.2.dev20260603
libtpu: 0.0.44.dev20260713+nightly
codegen_flags: <defaults>
</compile_context>

<pallas_src>
import jax
import jax.numpy as jnp
from jax.experimental import pallas as pl
from jax.experimental.pallas import tpu as pltpu

_NV = 22
_NB = 21
_D = 2 * _NB + 1
_K = 16


def _prefix_sums(w):
    c = list(w)
    n = len(c)
    s = 1
    while s < n:
        nc = list(c)
        for i in range(n):
            if (i % (2 * s)) >= s:
                base = (i // (2 * s)) * (2 * s) + s - 1
                nc[i] = c[i] + c[base]
        c = nc
        s *= 2
    return c


def _body(x_ref, wv_ref, out_ref, logj_ref):
    k = pl.program_id(1)

    xk = x_ref[0]

    w = [jnp.maximum(jnp.exp(wv_ref[_NV + i, 0]), 1e-6) for i in range(_NB)]
    c = _prefix_sums(w)
    wtot = c[-1]
    inv_wtot = 1.0 / wtot
    xw = xk * wtot

    p = [ci <= xw for ci in c]

    ws_at = jnp.zeros_like(xk)
    for i in range(_NB - 1):
        ws_at = ws_at + jnp.where(p[i], w[i], 0.0)
    w_at = w[0]
    for i in range(1, _NB):
        w_at = jnp.where(p[i - 1], w[i], w_at)

    wn_at = jnp.maximum(w_at * inv_wtot, 1e-6)
    alphas = jnp.clip((xk - ws_at * inv_wtot) / wn_at, 0.0, 1.0)

    ev = [jnp.exp(wv_ref[i, 0]) for i in range(_NV)]
    wn = [jnp.maximum(w[i] * inv_wtot, 1e-6) for i in range(_NB)]
    denom = None
    for i in range(_NB):
        t = (ev[i] + ev[i + 1]) * 0.5 * wn[i]
        denom = t if denom is None else denom + t
    inv_d = 1.0 / denom
    v = [jnp.maximum(ev[i] * inv_d, 1e-6) for i in range(_NV)]

    v_at = v[0]
    v_at1 = v[1]
    for i in range(1, _NB):
        v_at = jnp.where(p[i - 1], v[i], v_at)
        v_at1 = jnp.where(p[i - 1], v[i + 1], v_at1)

    vw_at = jnp.zeros_like(xk)
    for i in range(_NB - 1):
        vw_at = vw_at + jnp.where(p[i], (v[i] + v[i + 1]) * 0.5 * wn[i], 0.0)

    out = (alphas * alphas * 0.5) * (v_at1 - v_at) * wn_at \
        + alphas * v_at * wn_at + vw_at
    eps2 = float(jnp.finfo(jnp.float32).eps)
    out_ref[0] = jnp.clip(out, eps2, 1.0 - eps2)

    lerped = v_at + alphas * (v_at1 - v_at)
    logc = jnp.log(lerped)

    @pl.when(k == 0)
    def _():
        logj_ref[...] = logc

    @pl.when(k != 0)
    def _():
        logj_ref[...] += logc


def kernel(x, wv_tilde):
    n, k = x.shape
    d = wv_tilde.shape[2]
    assert d == _D and k == _K and n % 1024 == 0
    nc = n // 1024

    cb = 4
    wv_t = jnp.transpose(wv_tilde, (2, 1, 0)).reshape(d, k, nc, 8, 128)
    x_t = jnp.transpose(x, (1, 0)).reshape(k, nc, 8, 128)

    out_t, logj_t = pl.pallas_call(
        _body,
        grid=(nc // cb, k),
        in_specs=[
            pl.BlockSpec((1, cb, 8, 128), lambda c, kk: (kk, c, 0, 0)),
            pl.BlockSpec((d, 1, cb, 8, 128), lambda c, kk: (0, kk, c, 0, 0)),
        ],
        out_specs=[
            pl.BlockSpec((1, cb, 8, 128), lambda c, kk: (kk, c, 0, 0)),
            pl.BlockSpec((cb, 8, 128), lambda c, kk: (c, 0, 0)),
        ],
        out_shape=[
            jax.ShapeDtypeStruct((k, nc, 8, 128), jnp.float32),
            jax.ShapeDtypeStruct((nc, 8, 128), jnp.float32),
        ],
        compiler_params=pltpu.CompilerParams(
            dimension_semantics=("parallel", "arbitrary"),
        ),
    )(x_t, wv_t)

    out = jnp.transpose(out_t.reshape(k, n), (1, 0))
    logj = logj_t.reshape(n, 1)
    return (out, logj)

# --- scband reference (transcript-rebuilt; emitter-appended) ---
"""Pipeline reference for scband-tenso-flow-35923106464323 (READ-ONLY COPY).

The authoritative reference and input builder live on the scoring server;
editing this copy changes nothing except your own understanding.
"""

import jax, jax.numpy as jnp
import numpy as np

N, K, NB = 65536, 16, 21
D = 2 * NB + 1


def setup_inputs(seed: int = 0):
    key = jax.random.key(seed)
    k1, k2 = jax.random.split(key)
    x = jax.random.uniform(k1, (N, K), dtype=jnp.float32, minval=1e-4, maxval=1.0 - 1e-4)
    wv_tilde = jax.random.normal(k2, (N, K, D), dtype=jnp.float32)
    return {"x": x, "wv_tilde": wv_tilde}


def _modified_softmax(v, w):
    v = jnp.exp(v)
    return v / (((v[:, :, :-1] + v[:, :, 1:]) / 2 * w).sum(-1, keepdims=True))


def reference(x, wv_tilde):
    # Faithful translation of ElementWisePWQuadraticTransform.flow_inv (return_jacobian=True)
    nv = int(np.ceil(wv_tilde.shape[2] / 2))
    v_tilde = wv_tilde[:, :, :nv]
    w_tilde = wv_tilde[:, :, nv:]
    b = w_tilde.shape[2]

    w = jnp.clip(jnp.exp(w_tilde), 1e-6, None)
    wsum = jnp.cumsum(w, axis=-1)
    wnorms = wsum[:, :, -1:]
    w = jnp.clip(w / wnorms, 1e-6, None)
    wsum = wsum / wnorms
    zeros = jnp.zeros(wsum.shape[:2] + (1,), wsum.dtype)
    wsum_shift = jnp.concatenate([zeros, wsum], axis=-1)

    v = jnp.clip(_modified_softmax(v_tilde, w), 1e-6, None)

    finder = jnp.where(wsum > x[..., None], jnp.zeros_like(wsum), jnp.ones_like(wsum))
    eps = jnp.finfo(wsum.dtype).eps
    cat = jnp.concatenate([jnp.ones_like(zeros) * eps, finder * wsum], axis=-1)
    mx = jnp.argmax(cat, axis=-1)[..., None]
    mx = jnp.clip(mx, 0, b - 1).astype(jnp.int32)

    gather = lambda t, i: jnp.take_along_axis(t, i, axis=-1)

    alphas = jnp.clip((x - gather(wsum_shift, mx)[..., 0]) / gather(w, mx)[..., 0], 0.0, 1.0)

    vw = jnp.concatenate(
        [zeros, jnp.cumsum((v[:, :, :-1] + v[:, :, 1:]) / 2 * w, axis=-1)], axis=-1
    )

    out_1 = (alphas ** 2 / 2) * ((gather(v, mx + 1) - gather(v, mx)) * gather(w, mx))[..., 0]
    out_2 = alphas * gather(v, mx)[..., 0] * gather(w, mx)[..., 0]
    out_3 = gather(vw, mx)[..., 0]
    out = out_1 + out_2 + out_3
    eps2 = jnp.finfo(out.dtype).eps
    out = jnp.clip(out, eps2, 1.0 - eps2)

    va = gather(v, mx)[..., 0]
    vb = gather(v, mx + 1)[..., 0]
    lerped = va + alphas * (vb - va)
    logj = jnp.sum(jnp.log(lerped), axis=-1, keepdims=True)
    return (out, logj)

if __name__ == "__main__":
    import jax
    _d = setup_inputs()
    print(jax.jit(kernel)(*tuple(_d.values())))

</pallas_src>

<mosaic_0001>
module attributes {stable_mosaic.version = 14 : i64} {
  func.func @_body(%arg0: i32, %arg1: i32, %arg2: memref<1x4x8x128xf32, #tpu.memory_space<vmem>>, %arg3: memref<43x1x4x8x128xf32, #tpu.memory_space<vmem>>, %arg4: memref<1x4x8x128xf32, #tpu.memory_space<vmem>>, %arg5: memref<4x8x128xf32, #tpu.memory_space<vmem>>) attributes {dimension_semantics = [#tpu.dimension_semantics<parallel>, #tpu.dimension_semantics<arbitrary>], iteration_bounds = array<i64: 16, 16>, scalar_prefetch = 0 : i64, scratch_operands = 0 : i64, tpu.core_type = #tpu.core_type<tc>, window_params = [{transform_indices = @transform_0, window_bounds = array<i64: 1, 4, 8, 128>}, {transform_indices = @transform_1, window_bounds = array<i64: 43, 1, 4, 8, 128>}, {transform_indices = @transform_2, window_bounds = array<i64: 1, 4, 8, 128>}, {transform_indices = @transform_3, window_bounds = array<i64: 4, 8, 128>}]} {
    %get3A = arith.constant 0 : index
    %get3A_0 = arith.constant 0 : index
    %get3A_1 = arith.constant 0 : index
    %get3A_2 = arith.constant 0 : index
    %get3A_3 = vector.load %arg2[%get3A, %get3A_0, %get3A_1, %get3A_2] : memref<1x4x8x128xf32, #tpu.memory_space<vmem>>, vector<1x4x8x128xf32>
    %get3A_4 = vector.shape_cast %get3A_3 : vector<1x4x8x128xf32> to vector<4x8x128xf32>
    %get3A_5 = arith.constant 22 : index
    %get3A_6 = arith.constant 0 : index
    %get3A_7 = arith.constant 0 : index
    %get3A_8 = arith.constant 0 : index
    %get3A_9 = arith.constant 0 : index
    %get3A_10 = vector.load %arg3[%get3A_5, %get3A_6, %get3A_7, %get3A_8, %get3A_9] : memref<43x1x4x8x128xf32, #tpu.memory_space<vmem>>, vector<1x1x4x8x128xf32>
    %get3A_11 = vector.shape_cast %get3A_10 : vector<1x1x4x8x128xf32> to vector<4x8x128xf32>
    %exp3A = math.exp %get3A_11 : vector<4x8x128xf32>
    %max3A = arith.constant 9.99999997E-7 : f32
    %max3A_12 = vector.broadcast %max3A : f32 to vector<4x8x128xf32>
    %max3A_13 = arith.maximumf %exp3A, %max3A_12 : vector<4x8x128xf32>
    %get3A_14 = arith.constant 23 : index
    %get3A_15 = arith.constant 0 : index
    %get3A_16 = arith.constant 0 : index
    %get3A_17 = arith.constant 0 : index
    %get3A_18 = arith.constant 0 : index
    %get3A_19 = vector.load %arg3[%get3A_14, %get3A_15, %get3A_16, %get3A_17, %get3A_18] : memref<43x1x4x8x128xf32, #tpu.memory_space<vmem>>, vector<1x1x4x8x128xf32>
    %get3A_20 = vector.shape_cast %get3A_19 : vector<1x1x4x8x128xf32> to vector<4x8x128xf32>
    %exp3A_21 = math.exp %get3A_20 : vector<4x8x128xf32>
    %max3A_22 = arith.constant 9.99999997E-7 : f32
    %max3A_23 = vector.broadcast %max3A_22 : f32 to vector<4x8x128xf32>
    %max3A_24 = arith.maximumf %exp3A_21, %max3A_23 : vector<4x8x128xf32>
    %get3A_25 = arith.constant 24 : index
    %get3A_26 = arith.constant 0 : index
    %get3A_27 = arith.constant 0 : index
    %get3A_28 = arith.constant 0 : index
    %get3A_29 = arith.constant 0 : index
    %get3A_30 = vector.load %arg3[%get3A_25, %get3A_26, %get3A_27, %get3A_28, %get3A_29] : memref<43x1x4x8x128xf32, #tpu.memory_space<vmem>>, vector<1x1x4x8x128xf32>
    %get3A_31 = vector.shape_cast %get3A_30 : vector<1x1x4x8x128xf32> to vector<4x8x128xf32>
    %exp3A_32 = math.exp %get3A_31 : vector<4x8x128xf32>
    %max3A_33 = arith.constant 9.99999997E-7 : f32
    %max3A_34 = vector.broadcast %max3A_33 : f32 to vector<4x8x128xf32>
    %max3A_35 = arith.maximumf %exp3A_32, %max3A_34 : vector<4x8x128xf32>
    %get3A_36 = arith.constant 25 : index
    %get3A_37 = arith.constant 0 : index
    %get3A_38 = arith.constant 0 : index
    %get3A_39 = arith.constant 0 : index
    %get3A_40 = arith.constant 0 : index
    %get3A_41 = vector.load %arg3[%get3A_36, %get3A_37, %get3A_38, %get3A_39, %get3A_40] : memref<43x1x4x8x128xf32, #tpu.memory_space<vmem>>, vector<1x1x4x8x128xf32>
    %get3A_42 = vector.shape_cast %get3A_41 : vector<1x1x4x8x128xf32> to vector<4x8x128xf32>
    %exp3A_43 = math.exp %get3A_42 : vector<4x8x128xf32>
    %max3A_44 = arith.constant 9.99999997E-7 : f32
    %max3A_45 = vector.broadcast %max3A_44 : f32 to vector<4x8x128xf32>
    %max3A_46 = arith.maximumf %exp3A_43, %max3A_45 : vector<4x8x128xf32>
    %get3A_47 = arith.constant 26 : index
    %get3A_48 = arith.constant 0 : index
    %get3A_49 = arith.constant 0 : index
    %get3A_50 = arith.constant 0 : index
    %get3A_51 = arith.constant 0 : index
    %get3A_52 = vector.load %arg3[%get3A_47, %get3A_48, %get3A_49, %get3A_50, %get3A_51] : memref<43x1x4x8x128xf32, #tpu.memory_space<vmem>>, vector<1x1x4x8x128xf32>
    %get3A_53 = vector.shape_cast %get3A_52 : vector<1x1x4x8x128xf32> to vector<4x8x128xf32>
    %exp3A_54 = math.exp %get3A_53 : vector<4x8x128xf32>
    %max3A_55 = arith.constant 9.99999997E-7 : f32
    %max3A_56 = vector.broadcast %max3A_55 : f32 to vector<4x8x128xf32>
    %max3A_57 = arith.maximumf %exp3A_54, %max3A_56 : vector<4x8x128xf32>
    %get3A_58 = arith.constant 27 : index
    %get3A_59 = arith.constant 0 : index
    %get3A_60 = arith.constant 0 : index
    %get3A_61 = arith.constant 0 : index
    %get3A_62 = arith.constant 0 : index
    %get3A_63 = vector.load %arg3[%get3A_58, %get3A_59, %get3A_60, %get3A_61, %get3A_62] : memref<43x1x4x8x128xf32, #tpu.memory_space<vmem>>, vector<1x1x4x8x128xf32>
    %get3A_64 = vector.shape_cast %get3A_63 : vector<1x1x4x8x128xf32> to vector<4x8x128xf32>
    %exp3A_65 = math.exp %get3A_64 : vector<4x8x128xf32>
    %max3A_66 = arith.constant 9.99999997E-7 : f32
    %max3A_67 = vector.broadcast %max3A_66 : f32 to vector<4x8x128xf32>
    %max3A_68 = arith.maximumf %exp3A_65, %max3A_67 : vector<4x8x128xf32>
    %get3A_69 = arith.constant 28 : index
    %get3A_70 = arith.constant 0 : index
    %get3A_71 = arith.constant 0 : index
    %get3A_72 = arith.constant 0 : index
    %get3A_73 = arith.constant 0 : index
    %get3A_74 = vector.load %arg3[%get3A_69, %get3A_70, %get3A_71, %get3A_72, %get3A_73] : memref<43x1x4x8x128xf32, #tpu.memory_space<vmem>>, vector<1x1x4x8x128xf32>
    %get3A_75 = vector.shape_cast %get3A_74 : vector<1x1x4x8x128xf32> to vector<4x8x128xf32>
    %exp3A_76 = math.exp %get3A_75 : vector<4x8x128xf32>
    %max3A_77 = arith.constant 9.99999997E-7 : f32
    %max3A_78 = vector.broadcast %max3A_77 : f32 to vector<4x8x128xf32>
    %max3A_79 = arith.maximumf %exp3A_76, %max3A_78 : vector<4x8x128xf32>
    %get3A_80 = arith.constant 29 : index
    %get3A_81 = arith.constant 0 : index
    %get3A_82 = arith.constant 0 : index
    %get3A_83 = arith.constant 0 : index
    %get3A_84 = arith.constant 0 : index
    %get3A_85 = vector.load %arg3[%get3A_80, %get3A_81, %get3A_82, %get3A_83, %get3A_84] : memref<43x1x4x8x128xf32, #tpu.memory_space<vmem>>, vector<1x1x4x8x128xf32>
    %get3A_86 = vector.shape_cast %get3A_85 : vector<1x1x4x8x128xf32> to vector<4x8x128xf32>
    %exp3A_87 = math.exp %get3A_86 : vector<4x8x128xf32>
    %max3A_88 = arith.constant 9.99999997E-7 : f32
    %max3A_89 = vector.broadcast %max3A_88 : f32 to vector<4x8x128xf32>
    %max3A_90 = arith.maximumf %exp3A_87, %max3A_89 : vector<4x8x128xf32>
    %get3A_91 = arith.constant 30 : index
    %get3A_92 = arith.constant 0 : index
    %get3A_93 = arith.constant 0 : index
    %get3A_94 = arith.constant 0 : index
    %get3A_95 = arith.constant 0 : index
    %get3A_96 = vector.load %arg3[%get3A_91, %get3A_92, %get3A_93, %get3A_94, %get3A_95] : memref<43x1x4x8x128xf32, #tpu.memory_space<vmem>>, vector<1x1x4x8x128xf32>
    %get3A_97 = vector.shape_cast %get3A_96 : vector<1x1x4x8x128xf32> to vector<4x8x128xf32>
    %exp3A_98 = math.exp %get3A_97 : vector<4x8x128xf32>
    %max3A_99 = arith.constant 9.99999997E-7 : f32
    %max3A_100 = vector.broadcast %max3A_99 : f32 to vector<4x8x128xf32>
    %max3A_101 = arith.maximumf %exp3A_98, %max3A_100 : vector<4x8x128xf32>
    %get3A_102 = arith.constant 31 : index
    %get3A_103 = arith.constant 0 : index
    %get3A_104 = arith.constant 0 : index
    %get3A_105 = arith.constant 0 : index
    %get3A_106 = arith.constant 0 : index
    %get3A_107 = vector.load %arg3[%get3A_102, %get3A_103, %get3A_104, %get3A_105, %get3A_106] : memref<43x1x4x8x128xf32, #tpu.memory_space<vmem>>, vector<1x1x4x8x128xf32>
    %get3A_108 = vector.shape_cast %get3A_107 : vector<1x1x4x8x128xf32> to vector<4x8x128xf32>
    %exp3A_109 = math.exp %get3A_108 : vector<4x8x128xf32>
    %max3A_110 = arith.constant 9.99999997E-7 : f32
    %max3A_111 = vector.broadcast %max3A_110 : f32 to vector<4x8x128xf32>
    %max3A_112 = arith.maximumf %exp3A_109, %max3A_111 : vector<4x8x128xf32>
    %get3A_113 = arith.constant 32 : index
    %get3A_114 = arith.constant 0 : index
    %get3A_115 = arith.constant 0 : index
    %get3A_116 = arith.constant 0 : index
    %get3A_117 = arith.constant 0 : index
    %get3A_118 = vector.load %arg3[%get3A_113, %get3A_114, %get3A_115, %get3A_116, %get3A_117] : memref<43x1x4x8x128xf32, #tpu.memory_space<vmem>>, vector<1x1x4x8x128xf32>
    %get3A_119 = vector.shape_cast %get3A_118 : vector<1x1x4x8x128xf32> to vector<4x8x128xf32>
    %exp3A_120 = math.exp %get3A_119 : vector<4x8x128xf32>
    %max3A_121 = arith.constant 9.99999997E-7 : f32
    %max3A_122 = vector.broadcast %max3A_121 : f32 to vector<4x8x128xf32>
    %max3A_123 = arith.maximumf %exp3A_120, %max3A_122 : vector<4x8x128xf32>
    %get3A_124 = arith.constant 33 : index
    %get3A_125 = arith.constant 0 : index
    %get3A_126 = arith.constant 0 : index
    %get3A_127 = arith.constant 0 : index
    %get3A_128 = arith.constant 0 : index
    %get3A_129 = vector.load %arg3[%get3A_124, %get3A_125, %get3A_126, %get3A_127, %get3A_128] : memref<43x1x4x8x128xf32, #tpu.memory_space<vmem>>, vector<1x1x4x8x128xf32>
    %get3A_130 = vector.shape_cast %get3A_129 : vector<1x1x4x8x128xf32> to vector<4x8x128xf32>
    %exp3A_131 = math.exp %get3A_130 : vector<4x8x128xf32>
    %max3A_132 = arith.constant 9.99999997E-7 : f32
    %max3A_133 = vector.broadcast %max3A_132 : f32 to vector<4x8x128xf32>
    %max3A_134 = arith.maximumf %exp3A_131, %max3A_133 : vector<4x8x128xf32>
    %get3A_135 = arith.constant 34 : index
    %get3A_136 = arith.constant 0 : index
    %get3A_137 = arith.constant 0 : index
    %get3A_138 = arith.constant 0 : index
    %get3A_139 = arith.constant 0 : index
    %get3A_140 = vector.load %arg3[%get3A_135, %get3A_136, %get3A_137, %get3A_138, %get3A_139] : memref<43x1x4x8x128xf32, #tpu.memory_space<vmem>>, vector<1x1x4x8x128xf32>
    %get3A_141 = vector.shape_cast %get3A_140 : vector<1x1x4x8x128xf32> to vector<4x8x128xf32>
    %exp3A_142 = math.exp %get3A_141 : vector<4x8x128xf32>
    %max3A_143 = arith.constant 9.99999997E-7 : f32
    %max3A_144 = vector.broadcast %max3A_143 : f32 to vector<4x8x128xf32>
    %max3A_145 = arith.maximumf %exp3A_142, %max3A_144 : vector<4x8x128xf32>
    %get3A_146 = arith.constant 35 : index
    %get3A_147 = arith.constant 0 : index
    %get3A_148 = arith.constant 0 : index
    %get3A_149 = arith.constant 0 : index
    %get3A_150 = arith.constant 0 : index
    %get3A_151 = vector.load %arg3[%get3A_146, %get3A_147, %get3A_148, %get3A_149, %get3A_150] : memref<43x1x4x8x128xf32, #tpu.memory_space<vmem>>, vector<1x1x4x8x128xf32>
    %get3A_152 = vector.shape_cast %get3A_151 : vector<1x1x4x8x128xf32> to vector<4x8x128xf32>
    %exp3A_153 = math.exp %get3A_152 : vector<4x8x128xf32>
    %max3A_154 = arith.constant 9.99999997E-7 : f32
    %max3A_155 = vector.broadcast %max3A_154 : f32 to vector<4x8x128xf32>
    %max3A_156 = arith.maximumf %exp3A_153, %max3A_155 : vector<4x8x128xf32>
    %get3A_157 = arith.constant 36 : index
    %get3A_158 = arith.constant 0 : index
    %get3A_159 = arith.constant 0 : index
    %get3A_160 = arith.constant 0 : index
    %get3A_161 = arith.constant 0 : index
    %get3A_162 = vector.load %arg3[%get3A_157, %get3A_158, %get3A_159, %get3A_160, %get3A_161] : memref<43x1x4x8x128xf32, #tpu.memory_space<vmem>>, vector<1x1x4x8x128xf32>
    %get3A_163 = vector.shape_cast %get3A_162 : vector<1x1x4x8x128xf32> to vector<4x8x128xf32>
    %exp3A_164 = math.exp %get3A_163 : vector<4x8x128xf32>
    %max3A_165 = arith.constant 9.99999997E-7 : f32
    %max3A_166 = vector.broadcast %max3A_165 : f32 to vector<4x8x128xf32>
    %max3A_167 = arith.maximumf %exp3A_164, %max3A_166 : vector<4x8x128xf32>
    %get3A_168 = arith.constant 37 : index
    %get3A_169 = arith.constant 0 : index
    %get3A_170 = arith.constant 0 : index
    %get3A_171 = arith.constant 0 : index
    %get3A_172 = arith.constant 0 : index
    %get3A_173 = vector.load %arg3[%get3A_168, %get3A_169, %get3A_170, %get3A_171, %get3A_172] : memref<43x1x4x8x128xf32, #tpu.memory_space<vmem>>, vector<1x1x4x8x128xf32>
    %get3A_174 = vector.shape_cast %get3A_173 : vector<1x1x4x8x128xf32> to vector<4x8x128xf32>
    %exp3A_175 = math.exp %get3A_174 : vector<4x8x128xf32>
    %max3A_176 = arith.constant 9.99999997E-7 : f32
    %max3A_177 = vector.broadcast %max3A_176 : f32 to vector<4x8x128xf32>
    %max3A_178 = arith.maximumf %exp3A_175, %max3A_177 : vector<4x8x128xf32>
    %get3A_179 = arith.constant 38 : index
    %get3A_180 = arith.constant 0 : index
    %get3A_181 = arith.constant 0 : index
    %get3A_182 = arith.constant 0 : index
    %get3A_183 = arith.constant 0 : index
    %get3A_184 = vector.load %arg3[%get3A_179, %get3A_180, %get3A_181, %get3A_182, %get3A_183] : memref<43x1x4x8x128xf32, #tpu.memory_space<vmem>>, vector<1x1x4x8x128xf32>
    %get3A_185 = vector.shape_cast %get3A_184 : vector<1x1x4x8x128xf32> to vector<4x8x128xf32>
    %exp3A_186 = math.exp %get3A_185 : vector<4x8x128xf32>
    %max3A_187 = arith.constant 9.99999997E-7 : f32
    %max3A_188 = vector.broadcast %max3A_187 : f32 to vector<4x8x128xf32>
    %max3A_189 = arith.maximumf %exp3A_186, %max3A_188 : vector<4x8x128xf32>
    %get3A_190 = arith.constant 39 : index
    %get3A_191 = arith.constant 0 : index
    %get3A_192 = arith.constant 0 : index
    %get3A_193 = arith.constant 0 : index
    %get3A_194 = arith.constant 0 : index
    %get3A_195 = vector.load %arg3[%get3A_190, %get3A_191, %get3A_192, %get3A_193, %get3A_194] : memref<43x1x4x8x128xf32, #tpu.memory_space<vmem>>, vector<1x1x4x8x128xf32>
    %get3A_196 = vector.shape_cast %get3A_195 : vector<1x1x4x8x128xf32> to vector<4x8x128xf32>
    %exp3A_197 = math.exp %get3A_196 : vector<4x8x128xf32>
    %max3A_198 = arith.constant 9.99999997E-7 : f32
    %max3A_199 = vector.broadcast %max3A_198 : f32 to vector<4x8x128xf32>
    %max3A_200 = arith.maximumf %exp3A_197, %max3A_199 : vector<4x8x128xf32>
    %get3A_201 = arith.constant 40 : index
    %get3A_202 = arith.constant 0 : index
    %get3A_203 = arith.constant 0 : index
    %get3A_204 = arith.constant 0 : index
    %get3A_205 = arith.constant 0 : index
    %get3A_206 = vector.load %arg3[%get3A_201, %get3A_202, %get3A_203, %get3A_204, %get3A_205] : memref<43x1x4x8x128xf32, #tpu.memory_space<vmem>>, vector<1x1x4x8x128xf32>
    %get3A_207 = vector.shape_cast %get3A_206 : vector<1x1x4x8x128xf32> to vector<4x8x128xf32>
    %exp3A_208 = math.exp %get3A_207 : vector<4x8x128xf32>
    %max3A_209 = arith.constant 9.99999997E-7 : f32
    %max3A_210 = vector.broadcast %max3A_209 : f32 to vector<4x8x128xf32>
    %max3A_211 = arith.maximumf %exp3A_208, %max3A_210 : vector<4x8x128xf32>
    %get3A_212 = arith.constant 41 : index
    %get3A_213 = arith.constant 0 : index
    %get3A_214 = arith.constant 0 : index
    %get3A_215 = arith.constant 0 : index
    %get3A_216 = arith.constant 0 : index
    %get3A_217 = vector.load %arg3[%get3A_212, %get3A_213, %get3A_214, %get3A_215, %get3A_216] : memref<43x1x4x8x128xf32, #tpu.memory_space<vmem>>, vector<1x1x4x8x128xf32>
    %get3A_218 = vector.shape_cast %get3A_217 : vector<1x1x4x8x128xf32> to vector<4x8x128xf32>
    %exp3A_219 = math.exp %get3A_218 : vector<4x8x128xf32>
    %max3A_220 = arith.constant 9.99999997E-7 : f32
    %max3A_221 = vector.broadcast %max3A_220 : f32 to vector<4x8x128xf32>
    %max3A_222 = arith.maximumf %exp3A_219, %max3A_221 : vector<4x8x128xf32>
    %get3A_223 = arith.constant 42 : index
    %get3A_224 = arith.constant 0 : index
    %get3A_225 = arith.constant 0 : index
    %get3A_226 = arith.constant 0 : index
    %get3A_227 = arith.constant 0 : index
    %get3A_228 = vector.load %arg3[%get3A_223, %get3A_224, %get3A_225, %get3A_226, %get3A_227] : memref<43x1x4x8x128xf32, #tpu.memory_space<vmem>>, vector<1x1x4x8x128xf32>
    %get3A_229 = vector.shape_cast %get3A_228 : vector<1x1x4x8x128xf32> to vector<4x8x128xf32>
    %exp3A_230 = math.exp %get3A_229 : vector<4x8x128xf32>
    %max3A_231 = arith.constant 9.99999997E-7 : f32
    %max3A_232 = vector.broadcast %max3A_231 : f32 to vector<4x8x128xf32>
    %max3A_233 = arith.maximumf %exp3A_230, %max3A_232 : vector<4x8x128xf32>
    %add3A = arith.addf %max3A_24, %max3A_13 : vector<4x8x128xf32>
    %add3A_234 = arith.addf %max3A_46, %max3A_35 : vector<4x8x128xf32>
    %add3A_235 = arith.addf %max3A_68, %max3A_57 : vector<4x8x128xf32>
    %add3A_236 = arith.addf %max3A_90, %max3A_79 : vector<4x8x128xf32>
    %add3A_237 = arith.addf %max3A_112, %max3A_101 : vector<4x8x128xf32>
    %add3A_238 = arith.addf %max3A_134, %max3A_123 : vector<4x8x128xf32>
    %add3A_239 = arith.addf %max3A_156, %max3A_145 : vector<4x8x128xf32>
    %add3A_240 = arith.addf %max3A_178, %max3A_167 : vector<4x8x128xf32>
    %add3A_241 = arith.addf %max3A_200, %max3A_189 : vector<4x8x128xf32>
    %add3A_242 = arith.addf %max3A_222, %max3A_211 : vector<4x8x128xf32>
    %add3A_243 = arith.addf %max3A_35, %add3A : vector<4x8x128xf32>
    %add3A_244 = arith.addf %add3A_234, %add3A : vector<4x8x128xf32>
    %add3A_245 = arith.addf %max3A_79, %add3A_235 : vector<4x8x128xf32>
    %add3A_246 = arith.addf %add3A_236, %add3A_235 : vector<4x8x128xf32>
    %add3A_247 = arith.addf %max3A_123, %add3A_237 : vector<4x8x128xf32>
    %add3A_248 = arith.addf %add3A_238, %add3A_237 : vector<4x8x128xf32>
    %add3A_249 = arith.addf %max3A_167, %add3A_239 : vector<4x8x128xf32>
    %add3A_250 = arith.addf %add3A_240, %add3A_239 : vector<4x8x128xf32>
    %add3A_251 = arith.addf %max3A_211, %add3A_241 : vector<4x8x128xf32>
    %add3A_252 = arith.addf %add3A_242, %add3A_241 : vector<4x8x128xf32>
    %add3A_253 = arith.addf %max3A_57, %add3A_244 : vector<4x8x128xf32>
    %add3A_254 = arith.addf %add3A_235, %add3A_244 : vector<4x8x128xf32>
    %add3A_255 = arith.addf %add3A_245, %add3A_244 : vector<4x8x128xf32>
    %add3A_256 = arith.addf %add3A_246, %add3A_244 : vector<4x8x128xf32>
    %add3A_257 = arith.addf %max3A_145, %add3A_248 : vector<4x8x128xf32>
    %add3A_258 = arith.addf %add3A_239, %add3A_248 : vector<4x8x128xf32>
    %add3A_259 = arith.addf %add3A_249, %add3A_248 : vector<4x8x128xf32>
    %add3A_260 = arith.addf %add3A_250, %add3A_248 : vector<4x8x128xf32>
    %add3A_261 = arith.addf %max3A_233, %add3A_252 : vector<4x8x128xf32>
    %add3A_262 = arith.addf %max3A_101, %add3A_256 : vector<4x8x128xf32>
    %add3A_263 = arith.addf %add3A_237, %add3A_256 : vector<4x8x128xf32>
    %add3A_264 = arith.addf %add3A_247, %add3A_256 : vector<4x8x128xf32>
    %add3A_265 = arith.addf %add3A_248, %add3A_256 : vector<4x8x128xf32>
    %add3A_266 = arith.addf %add3A_257, %add3A_256 : vector<4x8x128xf32>
    %add3A_267 = arith.addf %add3A_258, %add3A_256 : vector<4x8x128xf32>
    %add3A_268 = arith.addf %add3A_259, %add3A_256 : vector<4x8x128xf32>
    %add3A_269 = arith.addf %add3A_260, %add3A_256 : vector<4x8x128xf32>
    %add3A_270 = arith.addf %max3A_189, %add3A_269 : vector<4x8x128xf32>
    %add3A_271 = arith.addf %add3A_241, %add3A_269 : vector<4x8x128xf32>
    %add3A_272 = arith.addf %add3A_251, %add3A_269 : vector<4x8x128xf32>
    %add3A_273 = arith.addf %add3A_252, %add3A_269 : vector<4x8x128xf32>
    %add3A_274 = arith.addf %add3A_261, %add3A_269 : vector<4x8x128xf32>
    %div3A = arith.constant 1.000000e+00 : f32
    %div3A_275 = vector.broadcast %div3A : f32 to vector<4x8x128xf32>
    %div3A_276 = arith.divf %div3A_275, %add3A_274 : vector<4x8x128xf32>
    %mul3A = arith.mulf %get3A_4, %add3A_274 : vector<4x8x128xf32>
    %le3A = arith.cmpf ole, %max3A_13, %mul3A : vector<4x8x128xf32>
    %le3A_277 = arith.cmpf ole, %add3A, %mul3A : vector<4x8x128xf32>
    %le3A_278 = arith.cmpf ole, %add3A_243, %mul3A : vector<4x8x128xf32>
    %le3A_279 = arith.cmpf ole, %add3A_244, %mul3A : vector<4x8x128xf32>
    %le3A_280 = arith.cmpf ole, %add3A_253, %mul3A : vector<4x8x128xf32>
    %le3A_281 = arith.cmpf ole, %add3A_254, %mul3A : vector<4x8x128xf32>
    %le3A_282 = arith.cmpf ole, %add3A_255, %mul3A : vector<4x8x128xf32>
    %le3A_283 = arith.cmpf ole, %add3A_256, %mul3A : vector<4x8x128xf32>
    %le3A_284 = arith.cmpf ole, %add3A_262, %mul3A : vector<4x8x128xf32>
    %le3A_285 = arith.cmpf ole, %add3A_263, %mul3A : vector<4x8x128xf32>
    %le3A_286 = arith.cmpf ole, %add3A_264, %mul3A : vector<4x8x128xf32>
    %le3A_287 = arith.cmpf ole, %add3A_265, %mul3A : vector<4x8x128xf32>
    %le3A_288 = arith.cmpf ole, %add3A_266, %mul3A : vector<4x8x128xf32>
    %le3A_289 = arith.cmpf ole, %add3A_267, %mul3A : vector<4x8x128xf32>
    %le3A_290 = arith.cmpf ole, %add3A_268, %mul3A : vector<4x8x128xf32>
    %le3A_291 = arith.cmpf ole, %add3A_269, %mul3A : vector<4x8x128xf32>
    %le3A_292 = arith.cmpf ole, %add3A_270, %mul3A : vector<4x8x128xf32>
    %le3A_293 = arith.cmpf ole, %add3A_271, %mul3A : vector<4x8x128xf32>
    %le3A_294 = arith.cmpf ole, %add3A_272, %mul3A : vector<4x8x128xf32>
    %le3A_295 = arith.cmpf ole, %add3A_273, %mul3A : vector<4x8x128xf32>
    %broadcast_in_dim3A = arith.constant 0.000000e+00 : f32
    %broadcast_in_dim3A_296 = vector.broadcast %broadcast_in_dim3A : f32 to vector<4x8x128xf32>
    %jit3A = arith.constant 0.000000e+00 : f32
    %broadcast_in_dim3A_297 = vector.broadcast %jit3A : f32 to vector<4x8x128xf32>
    %select_n3A = arith.select %le3A, %max3A_13, %broadcast_in_dim3A_297 : vector<4x8x128xi1>, vector<4x8x128xf32>
    %add3A_298 = arith.addf %broadcast_in_dim3A_296, %select_n3A : vector<4x8x128xf32>
    %jit3A_299 = arith.constant 0.000000e+00 : f32
    %broadcast_in_dim3A_300 = vector.broadcast %jit3A_299 : f32 to vector<4x8x128xf32>
    %select_n3A_301 = arith.select %le3A_277, %max3A_24, %broadcast_in_dim3A_300 : vector<4x8x128xi1>, vector<4x8x128xf32>
    %add3A_302 = arith.addf %add3A_298, %select_n3A_301 : vector<4x8x128xf32>
    %jit3A_303 = arith.constant 0.000000e+00 : f32
    %broadcast_in_dim3A_304 = vector.broadcast %jit3A_303 : f32 to vector<4x8x128xf32>
    %select_n3A_305 = arith.select %le3A_278, %max3A_35, %broadcast_in_dim3A_304 : vector<4x8x128xi1>, vector<4x8x128xf32>
    %add3A_306 = arith.addf %add3A_302, %select_n3A_305 : vector<4x8x128xf32>
    %jit3A_307 = arith.constant 0.000000e+00 : f32
    %broadcast_in_dim3A_308 = vector.broadcast %jit3A_307 : f32 to vector<4x8x128xf32>
    %select_n3A_309 = arith.select %le3A_279, %max3A_46, %broadcast_in_dim3A_308 : vector<4x8x128xi1>, vector<4x8x128xf32>
    %add3A_310 = arith.addf %add3A_306, %select_n3A_309 : vector<4x8x128xf32>
    %jit3A_311 = arith.constant 0.000000e+00 : f32
    %broadcast_in_dim3A_312 = vector.broadcast %jit3A_311 : f32 to vector<4x8x128xf32>
    %select_n3A_313 = arith.select %le3A_280, %max3A_57, %broadcast_in_dim3A_312 : vector<4x8x128xi1>, vector<4x8x128xf32>
    %add3A_314 = arith.addf %add3A_310, %select_n3A_313 : vector<4x8x128xf32>
    %jit3A_315 = arith.constant 0.000000e+00 : f32
    %broadcast_in_dim3A_316 = vector.broadcast %jit3A_315 : f32 to vector<4x8x128xf32>
    %select_n3A_317 = arith.select %le3A_281, %max3A_68, %broadcast_in_dim3A_316 : vector<4x8x128xi1>, vector<4x8x128xf32>
    %add3A_318 = arith.addf %add3A_314, %select_n3A_317 : vector<4x8x128xf32>
    %jit3A_319 = arith.constant 0.000000e+00 : f32
    %broadcast_in_dim3A_320 = vector.broadcast %jit3A_319 : f32 to vector<4x8x128xf32>
    %select_n3A_321 = arith.select %le3A_282, %max3A_79, %broadcast_in_dim3A_320 : vector<4x8x128xi1>, vector<4x8x128xf32>
    %add3A_322 = arith.addf %add3A_318, %select_n3A_321 : vector<4x8x128xf32>
    %jit3A_323 = arith.constant 0.000000e+00 : f32
    %broadcast_in_dim3A_324 = vector.broadcast %jit3A_323 : f32 to vector<4x8x128xf32>
    %select_n3A_325 = arith.select %le3A_283, %max3A_90, %broadcast_in_dim3A_324 : vector<4x8x128xi1>, vector<4x8x128xf32>
    %add3A_326 = arith.addf %add3A_322, %select_n3A_325 : vector<4x8x128xf32>
    %jit3A_327 = arith.constant 0.000000e+00 : f32
    %broadcast_in_dim3A_328 = vector.broadcast %jit3A_327 : f32 to vector<4x8x128xf32>
    %select_n3A_329 = arith.select %le3A_284, %max3A_101, %broadcast_in_dim3A_328 : vector<4x8x128xi1>, vector<4x8x128xf32>
    %add3A_330 = arith.addf %add3A_326, %select_n3A_329 : vector<4x8x128xf32>
    %jit3A_331 = arith.constant 0.000000e+00 : f32
    %broadcast_in_dim3A_332 = vector.broadcast %jit3A_331 : f32 to vector<4x8x128xf32>
    %select_n3A_333 = arith.select %le3A_285, %max3A_112, %broadcast_in_dim3A_332 : vector<4x8x128xi1>, vector<4x8x128xf32>
    %add3A_334 = arith.addf %add3A_330, %select_n3A_333 : vector<4x8x128xf32>
    %jit3A_335 = arith.constant 0.000000e+00 : f32
    %broadcast_in_dim3A_336 = vector.broadcast %jit3A_335 : f32 to vector<4x8x128xf32>
    %select_n3A_337 = arith.select %le3A_286, %max3A_123, %broadcast_in_dim3A_336 : vector<4x8x128xi1>, vector<4x8x128xf32>
    %add3A_338 = arith.addf %add3A_334, %select_n3A_337 : vector<4x8x128xf32>
    %jit3A_339 = arith.constant 0.000000e+00 : f32
    %broadcast_in_dim3A_340 = vector.broadcast %jit3A_339 : f32 to vector<4x8x128xf32>
    %select_n3A_341 = arith.select %le3A_287, %max3A_134, %broadcast_in_dim3A_340 : vector<4x8x128xi1>, vector<4x8x128xf32>
    %add3A_342 = arith.addf %add3A_338, %select_n3A_341 : vector<4x8x128xf32>
    %jit3A_343 = arith.constant 0.000000e+00 : f32
    %broadcast_in_dim3A_344 = vector.broadcast %jit3A_343 : f32 to vector<4x8x128xf32>
    %select_n3A_345 = arith.select %le3A_288, %max3A_145, %broadcast_in_dim3A_344 : vector<4x8x128xi1>, vector<4x8x128xf32>
    %add3A_346 = arith.addf %add3A_342, %select_n3A_345 : vector<4x8x128xf32>
    %jit3A_347 = arith.constant 0.000000e+00 : f32
    %broadcast_in_dim3A_348 = vector.broadcast %jit3A_347 : f32 to vector<4x8x128xf32>
    %select_n3A_349 = arith.select %le3A_289, %max3A_156, %broadcast_in_dim3A_348 : vector<4x8x128xi1>, vector<4x8x128xf32>
    %add3A_350 = arith.addf %add3A_346, %select_n3A_349 : vector<4x8x128xf32>
    %jit3A_351 = arith.constant 0.000000e+00 : f32
    %broadcast_in_dim3A_352 = vector.broadcast %jit3A_351 : f32 to vector<4x8x128xf32>
    %select_n3A_353 = arith.select %le3A_290, %max3A_167, %broadcast_in_dim3A_352 : vector<4x8x128xi1>, vector<4x8x128xf32>
    %add3A_354 = arith.addf %add3A_350, %select_n3A_353 : vector<4x8x128xf32>
    %jit3A_355 = arith.constant 0.000000e+00 : f32
    %broadcast_in_dim3A_356 = vector.broadcast %jit3A_355 : f32 to vector<4x8x128xf32>
    %select_n3A_357 = arith.select %le3A_291, %max3A_178, %broadcast_in_dim3A_356 : vector<4x8x128xi1>, vector<4x8x128xf32>
    %add3A_358 = arith.addf %add3A_354, %select_n3A_357 : vector<4x8x128xf32>
    %jit3A_359 = arith.constant 0.000000e+00 : f32
    %broadcast_in_dim3A_360 = vector.broadcast %jit3A_359 : f32 to vector<4x8x128xf32>
    %select_n3A_361 = arith.select %le3A_292, %max3A_189, %broadcast_in_dim3A_360 : vector<4x8x128xi1>, vector<4x8x128xf32>
    %add3A_362 = arith.addf %add3A_358, %select_n3A_361 : vector<4x8x128xf32>
    %jit3A_363 = arith.constant 0.000000e+00 : f32
    %broadcast_in_dim3A_364 = vector.broadcast %jit3A_363 : f32 to vector<4x8x128xf32>
    %select_n3A_365 = arith.select %le3A_293, %max3A_200, %broadcast_in_dim3A_364 : vector<4x8x128xi1>, vector<4x8x128xf32>
    %add3A_366 = arith.addf %add3A_362, %select_n3A_365 : vector<4x8x128xf32>
    %jit3A_367 = arith.constant 0.000000e+00 : f32
    %broadcast_in_dim3A_368 = vector.broadcast %jit3A_367 : f32 to vector<4x8x128xf32>
    %select_n3A_369 = arith.select %le3A_294, %max3A_211, %broadcast_in_dim3A_368 : vector<4x8x128xi1>, vector<4x8x128xf32>
    %add3A_370 = arith.addf %add3A_366, %select_n3A_369 : vector<4x8x128xf32>
    %jit3A_371 = arith.constant 0.000000e+00 : f32
    %broadcast_in_dim3A_372 = vector.broadcast %jit3A_371 : f32 to vector<4x8x128xf32>
    %select_n3A_373 = arith.select %le3A_295, %max3A_222, %broadcast_in_dim3A_372 : vector<4x8x128xi1>, vector<4x8x128xf32>
    %add3A_374 = arith.addf %add3A_370, %select_n3A_373 : vector<4x8x128xf32>
    %select_n3A_375 = arith.select %le3A, %max3A_24, %max3A_13 : vector<4x8x128xi1>, vector<4x8x128xf32>
    %select_n3A_376 = arith.select %le3A_277, %max3A_35, %select_n3A_375 : vector<4x8x128xi1>, vector<4x8x128xf32>
    %select_n3A_377 = arith.select %le3A_278, %max3A_46, %select_n3A_376 : vector<4x8x128xi1>, vector<4x8x128xf32>
    %select_n3A_378 = arith.select %le3A_279, %max3A_57, %select_n3A_377 : vector<4x8x128xi1>, vector<4x8x128xf32>
    %select_n3A_379 = arith.select %le3A_280, %max3A_68, %select_n3A_378 : vector<4x8x128xi1>, vector<4x8x128xf32>
    %select_n3A_380 = arith.select %le3A_281, %max3A_79, %select_n3A_379 : vector<4x8x128xi1>, vector<4x8x128xf32>
    %select_n3A_381 = arith.select %le3A_282, %max3A_90, %select_n3A_380 : vector<4x8x128xi1>, vector<4x8x128xf32>
    %select_n3A_382 = arith.select %le3A_283, %max3A_101, %select_n3A_381 : vector<4x8x128xi1>, vector<4x8x128xf32>
    %select_n3A_383 = arith.select %le3A_284, %max3A_112, %select_n3A_382 : vector<4x8x128xi1>, vector<4x8x128xf32>
    %select_n3A_384 = arith.select %le3A_285, %max3A_123, %select_n3A_383 : vector<4x8x128xi1>, vector<4x8x128xf32>
    %select_n3A_385 = arith.select %le3A_286, %max3A_134, %select_n3A_384 : vector<4x8x128xi1>, vector<4x8x128xf32>
    %select_n3A_386 = arith.select %le3A_287, %max3A_145, %select_n3A_385 : vector<4x8x128xi1>, vector<4x8x128xf32>
    %select_n3A_387 = arith.select %le3A_288, %max3A_156, %select_n3A_386 : vector<4x8x128xi1>, vector<4x8x128xf32>
    %select_n3A_388 = arith.select %le3A_289, %max3A_167, %select_n3A_387 : vector<4x8x128xi1>, vector<4x8x128xf32>
    %select_n3A_389 = arith.select %le3A_290, %max3A_178, %select_n3A_388 : vector<4x8x128xi1>, vector<4x8x128xf32>
    %select_n3A_390 = arith.select %le3A_291, %max3A_189, %select_n3A_389 : vector<4x8x128xi1>, vector<4x8x128xf32>
    %select_n3A_391 = arith.select %le3A_292, %max3A_200, %select_n3A_390 : vector<4x8x128xi1>, vector<4x8x128xf32>
    %select_n3A_392 = arith.select %le3A_293, %max3A_211, %select_n3A_391 : vector<4x8x128xi1>, vector<4x8x128xf32>
    %select_n3A_393 = arith.select %le3A_294, %max3A_222, %select_n3A_392 : vector<4x8x128xi1>, vector<4x8x128xf32>
    %select_n3A_394 = arith.select %le3A_295, %max3A_233, %select_n3A_393 : vector<4x8x128xi1>, vector<4x8x128xf32>
    %mul3A_395 = arith.mulf %select_n3A_394, %div3A_276 : vector<4x8x128xf32>
    %max3A_396 = arith.constant 9.99999997E-7 : f32
    %max3A_397 = vector.broadcast %max3A_396 : f32 to vector<4x8x128xf32>
    %max3A_398 = arith.maximumf %mul3A_395, %max3A_397 : vector<4x8x128xf32>
    %mul3A_399 = arith.mulf %add3A_374, %div3A_276 : vector<4x8x128xf32>
    %sub3A = arith.subf %get3A_4, %mul3A_399 : vector<4x8x128xf32>
    %div3A_400 = arith.divf %sub3A, %max3A_398 : vector<4x8x128xf32>
    %jit3A_401 = arith.constant 0.000000e+00 : f32
    %jit3A_402 = arith.constant 1.000000e+00 : f32
    %max3A_403 = vector.broadcast %jit3A_401 : f32 to vector<4x8x128xf32>
    %max3A_404 = arith.maximumf %max3A_403, %div3A_400 : vector<4x8x128xf32>
    %min3A = vector.broadcast %jit3A_402 : f32 to vector<4x8x128xf32>
    %min3A_405 = arith.minimumf %min3A, %max3A_404 : vector<4x8x128xf32>
    %get3A_406 = arith.constant 0 : index
    %get3A_407 = arith.constant 0 : index
    %get3A_408 = arith.constant 0 : index
    %get3A_409 = arith.constant 0 : index
    %get3A_410 = arith.constant 0 : index
    %get3A_411 = vector.load %arg3[%get3A_406, %get3A_407, %get3A_408, %get3A_409, %get3A_410] : memref<43x1x4x8x128xf32, #tpu.memory_space<vmem>>, vector<1x1x4x8x128xf32>
    %get3A_412 = vector.shape_cast %get3A_411 : vector<1x1x4x8x128xf32> to vector<4x8x128xf32>
    %exp3A_413 = math.exp %get3A_412 : vector<4x8x128xf32>
    %get3A_414 = arith.constant 1 : index
    %get3A_415 = arith.constant 0 : index
    %get3A_416 = arith.constant 0 : index
    %get3A_417 = arith.constant 0 : index
    %get3A_418 = arith.constant 0 : index
    %get3A_419 = vector.load %arg3[%get3A_414, %get3A_415, %get3A_416, %get3A_417, %get3A_418] : memref<43x1x4x8x128xf32, #tpu.memory_space<vmem>>, vector<1x1x4x8x128xf32>
    %get3A_420 = vector.shape_cast %get3A_419 : vector<1x1x4x8x128xf32> to vector<4x8x128xf32>
    %exp3A_421 = math.exp %get3A_420 : vector<4x8x128xf32>
    %get3A_422 = arith.constant 2 : index
    %get3A_423 = arith.constant 0 : index
    %get3A_424 = arith.constant 0 : index
    %get3A_425 = arith.constant 0 : index
    %get3A_426 = arith.constant 0 : index
    %get3A_427 = vector.load %arg3[%get3A_422, %get3A_423, %get3A_424, %get3A_425, %get3A_426] : memref<43x1x4x8x128xf32, #tpu.memory_space<vmem>>, vector<1x1x4x8x128xf32>
    %get3A_428 = vector.shape_cast %get3A_427 : vector<1x1x4x8x128xf32> to vector<4x8x128xf32>
    %exp3A_429 = math.exp %get3A_428 : vector<4x8x128xf32>
    %get3A_430 = arith.constant 3 : index
    %get3A_431 = arith.constant 0 : index
    %get3A_432 = arith.constant 0 : index
    %get3A_433 = arith.constant 0 : index
    %get3A_434 = arith.constant 0 : index
    %get3A_435 = vector.load %arg3[%get3A_430, %get3A_431, %get3A_432, %get3A_433, %get3A_434] : memref<43x1x4x8x128xf32, #tpu.memory_space<vmem>>, vector<1x1x4x8x128xf32>
    %get3A_436 = vector.shape_cast %get3A_435 : vector<1x1x4x8x128xf32> to vector<4x8x128xf32>
    %exp3A_437 = math.exp %get3A_436 : vector<4x8x128xf32>
    %get3A_438 = arith.constant 4 : index
    %get3A_439 = arith.constant 0 : index
    %get3A_440 = arith.constant 0 : index
    %get3A_441 = arith.constant 0 : index
    %get3A_442 = arith.constant 0 : index
    %get3A_443 = vector.load %arg3[%get3A_438, %get3A_439, %get3A_440, %get3A_441, %get3A_442] : memref<43x1x4x8x128xf32, #tpu.memory_space<vmem>>, vector<1x1x4x8x128xf32>
    %get3A_444 = vector.shape_cast %get3A_443 : vector<1x1x4x8x128xf32> to vector<4x8x128xf32>
    %exp3A_445 = math.exp %get3A_444 : vector<4x8x128xf32>
    %get3A_446 = arith.constant 5 : index
    %get3A_447 = arith.constant 0 : index
    %get3A_448 = arith.constant 0 : index
    %get3A_449 = arith.constant 0 : index
    %get3A_450 = arith.constant 0 : index
    %get3A_451 = vector.load %arg3[%get3A_446, %get3A_447, %get3A_448, %get3A_449, %get3A_450] : memref<43x1x4x8x128xf32, #tpu.memory_space<vmem>>, vector<1x1x4x8x128xf32>
    %get3A_452 = vector.shape_cast %get3A_451 : vector<1x1x4x8x128xf32> to vector<4x8x128xf32>
    %exp3A_453 = math.exp %get3A_452 : vector<4x8x128xf32>
    %get3A_454 = arith.constant 6 : index
    %get3A_455 = arith.constant 0 : index
    %get3A_456 = arith.constant 0 : index
    %get3A_457 = arith.constant 0 : index
    %get3A_458 = arith.constant 0 : index
    %get3A_459 = vector.load %arg3[%get3A_454, %get3A_455, %get3A_456, %get3A_457, %get3A_458] : memref<43x1x4x8x128xf32, #tpu.memory_space<vmem>>, vector<1x1x4x8x128xf32>
    %get3A_460 = vector.shape_cast %get3A_459 : vector<1x1x4x8x128xf32> to vector<4x8x128xf32>
    %exp3A_461 = math.exp %get3A_460 : vector<4x8x128xf32>
    %get3A_462 = arith.constant 7 : index
    %get3A_463 = arith.constant 0 : index
    %get3A_464 = arith.constant 0 : index
    %get3A_465 = arith.constant 0 : index
    %get3A_466 = arith.constant 0 : index
    %get3A_467 = vector.load %arg3[%get3A_462, %get3A_463, %get3A_464, %get3A_465, %get3A_466] : memref<43x1x4x8x128xf32, #tpu.memory_space<vmem>>, vector<1x1x4x8x128xf32>
    %get3A_468 = vector.shape_cast %get3A_467 : vector<1x1x4x8x128xf32> to vector<4x8x128xf32>
    %exp3A_469 = math.exp %get3A_468 : vector<4x8x128xf32>
    %get3A_470 = arith.constant 8 : index
    %get3A_471 = arith.constant 0 : index
    %get3A_472 = arith.constant 0 : index
    %get3A_473 = arith.constant 0 : index
    %get3A_474 = arith.constant 0 : index
    %get3A_475 = vector.load %arg3[%get3A_470, %get3A_471, %get3A_472, %get3A_473, %get3A_474] : memref<43x1x4x8x128xf32, #tpu.memory_space<vmem>>, vector<1x1x4x8x128xf32>
    %get3A_476 = vector.shape_cast %get3A_475 : vector<1x1x4x8x128xf32> to vector<4x8x128xf32>
    %exp3A_477 = math.exp %get3A_476 : vector<4x8x128xf32>
    %get3A_478 = arith.constant 9 : index
    %get3A_479 = arith.constant 0 : index
    %get3A_480 = arith.constant 0 : index
    %get3A_481 = arith.constant 0 : index
    %get3A_482 = arith.constant 0 : index
    %get3A_483 = vector.load %arg3[%get3A_478, %get3A_479, %get3A_480, %get3A_481, %get3A_482] : memref<43x1x4x8x128xf32, #tpu.memory_space<vmem>>, vector<1x1x4x8x128xf32>
    %get3A_484 = vector.shape_cast %get3A_483 : vector<1x1x4x8x128xf32> to vector<4x8x128xf32>
    %exp3A_485 = math.exp %get3A_484 : vector<4x8x128xf32>
    %get3A_486 = arith.constant 10 : index
    %get3A_487 = arith.constant 0 : index
    %get3A_488 = arith.constant 0 : index
    %get3A_489 = arith.constant 0 : index
    %get3A_490 = arith.constant 0 : index
    %get3A_491 = vector.load %arg3[%get3A_486, %get3A_487, %get3A_488, %get3A_489, %get3A_490] : memref<43x1x4x8x128xf32, #tpu.memory_space<vmem>>, vector<1x1x4x8x128xf32>
    %get3A_492 = vector.shape_cast %get3A_491 : vector<1x1x4x8x128xf32> to vector<4x8x128xf32>
    %exp3A_493 = math.exp %get3A_492 : vector<4x8x128xf32>
    %get3A_494 = arith.constant 11 : index
    %get3A_495 = arith.constant 0 : index
    %get3A_496 = arith.constant 0 : index
    %get3A_497 = arith.constant 0 : index
    %get3A_498 = arith.constant 0 : index
    %get3A_499 = vector.load %arg3[%get3A_494, %get3A_495, %get3A_496, %get3A_497, %get3A_498] : memref<43x1x4x8x128xf32, #tpu.memory_space<vmem>>, vector<1x1x4x8x128xf32>
    %get3A_500 = vector.shape_cast %get3A_499 : vector<1x1x4x8x128xf32> to vector<4x8x128xf32>
    %exp3A_501 = math.exp %get3A_500 : vector<4x8x128xf32>
    %get3A_502 = arith.constant 12 : index
    %get3A_503 = arith.constant 0 : index
    %get3A_504 = arith.constant 0 : index
    %get3A_505 = arith.constant 0 : index
    %get3A_506 = arith.constant 0 : index
    %get3A_507 = vector.load %arg3[%get3A_502, %get3A_503, %get3A_504, %get3A_505, %get3A_506] : memref<43x1x4x8x128xf32, #tpu.memory_space<vmem>>, vector<1x1x4x8x128xf32>
    %get3A_508 = vector.shape_cast %get3A_507 : vector<1x1x4x8x128xf32> to vector<4x8x128xf32>
    %exp3A_509 = math.exp %get3A_508 : vector<4x8x128xf32>
    %get3A_510 = arith.constant 13 : index
    %get3A_511 = arith.constant 0 : index
    %get3A_512 = arith.constant 0 : index
    %get3A_513 = arith.constant 0 : index
    %get3A_514 = arith.constant 0 : index
    %get3A_515 = vector.load %arg3[%get3A_510, %get3A_511, %get3A_512, %get3A_513, %get3A_514] : memref<43x1x4x8x128xf32, #tpu.memory_space<vmem>>, vector<1x1x4x8x128xf32>
    %get3A_516 = vector.shape_cast %get3A_515 : vector<1x1x4x8x128xf32> to vector<4x8x128xf32>
    %exp3A_517 = math.exp %get3A_516 : vector<4x8x128xf32>
    %get3A_518 = arith.constant 14 : index
    %get3A_519 = arith.constant 0 : index
    %get3A_520 = arith.constant 0 : index
    %get3A_521 = arith.constant 0 : index
    %get3A_522 = arith.constant 0 : index
    %get3A_523 = vector.load %arg3[%get3A_518, %get3A_519, %get3A_520, %get3A_521, %get3A_522] : memref<43x1x4x8x128xf32, #tpu.memory_space<vmem>>, vector<1x1x4x8x128xf32>
    %get3A_524 = vector.shape_cast %get3A_523 : vector<1x1x4x8x128xf32> to vector<4x8x128xf32>
    %exp3A_525 = math.exp %get3A_524 : vector<4x8x128xf32>
    %get3A_526 = arith.constant 15 : index
    %get3A_527 = arith.constant 0 : index
    %get3A_528 = arith.constant 0 : index
    %get3A_529 = arith.constant 0 : index
    %get3A_530 = arith.constant 0 : index
    %get3A_531 = vector.load %arg3[%get3A_526, %get3A_527, %get3A_528, %get3A_529, %get3A_530] : memref<43x1x4x8x128xf32, #tpu.memory_space<vmem>>, vector<1x1x4x8x128xf32>
    %get3A_532 = vector.shape_cast %get3A_531 : vector<1x1x4x8x128xf32> to vector<4x8x128xf32>
    %exp3A_533 = math.exp %get3A_532 : vector<4x8x128xf32>
    %get3A_534 = arith.constant 16 : index
    %get3A_535 = arith.constant 0 : index
    %get3A_536 = arith.constant 0 : index
    %get3A_537 = arith.constant 0 : index
    %get3A_538 = arith.constant 0 : index
    %get3A_539 = vector.load %arg3[%get3A_534, %get3A_535, %get3A_536, %get3A_537, %get3A_538] : memref<43x1x4x8x128xf32, #tpu.memory_space<vmem>>, vector<1x1x4x8x128xf32>
    %get3A_540 = vector.shape_cast %get3A_539 : vector<1x1x4x8x128xf32> to vector<4x8x128xf32>
    %exp3A_541 = math.exp %get3A_540 : vector<4x8x128xf32>
    %get3A_542 = arith.constant 17 : index
    %get3A_543 = arith.constant 0 : index
    %get3A_544 = arith.constant 0 : index
    %get3A_545 = arith.constant 0 : index
    %get3A_546 = arith.constant 0 : index
    %get3A_547 = vector.load %arg3[%get3A_542, %get3A_543, %get3A_544, %get3A_545, %get3A_546] : memref<43x1x4x8x128xf32, #tpu.memory_space<vmem>>, vector<1x1x4x8x128xf32>
    %get3A_548 = vector.shape_cast %get3A_547 : vector<1x1x4x8x128xf32> to vector<4x8x128xf32>
    %exp3A_549 = math.exp %get3A_548 : vector<4x8x128xf32>
    %get3A_550 = arith.constant 18 : index
    %get3A_551 = arith.constant 0 : index
    %get3A_552 = arith.constant 0 : index
    %get3A_553 = arith.constant 0 : index
    %get3A_554 = arith.constant 0 : index
    %get3A_555 = vector.load %arg3[%get3A_550, %get3A_551, %get3A_552, %get3A_553, %get3A_554] : memref<43x1x4x8x128xf32, #tpu.memory_space<vmem>>, vector<1x1x4x8x128xf32>
    %get3A_556 = vector.shape_cast %get3A_555 : vector<1x1x4x8x128xf32> to vector<4x8x128xf32>
    %exp3A_557 = math.exp %get3A_556 : vector<4x8x128xf32>
    %get3A_558 = arith.constant 19 : index
    %get3A_559 = arith.constant 0 : index
    %get3A_560 = arith.constant 0 : index
    %get3A_561 = arith.constant 0 : index
    %get3A_562 = arith.constant 0 : index
    %get3A_563 = vector.load %arg3[%get3A_558, %get3A_559, %get3A_560, %get3A_561, %get3A_562] : memref<43x1x4x8x128xf32, #tpu.memory_space<vmem>>, vector<1x1x4x8x128xf32>
    %get3A_564 = vector.shape_cast %get3A_563 : vector<1x1x4x8x128xf32> to vector<4x8x128xf32>
    %exp3A_565 = math.exp %get3A_564 : vector<4x8x128xf32>
    %get3A_566 = arith.constant 20 : index
    %get3A_567 = arith.constant 0 : index
    %get3A_568 = arith.constant 0 : index
    %get3A_569 = arith.constant 0 : index
    %get3A_570 = arith.constant 0 : index
    %get3A_571 = vector.load %arg3[%get3A_566, %get3A_567, %get3A_568, %get3A_569, %get3A_570] : memref<43x1x4x8x128xf32, #tpu.memory_space<vmem>>, vector<1x1x4x8x128xf32>
    %get3A_572 = vector.shape_cast %get3A_571 : vector<1x1x4x8x128xf32> to vector<4x8x128xf32>
    %exp3A_573 = math.exp %get3A_572 : vector<4x8x128xf32>
    %get3A_574 = arith.constant 21 : index
    %get3A_575 = arith.constant 0 : index
    %get3A_576 = arith.constant 0 : index
    %get3A_577 = arith.constant 0 : index
    %get3A_578 = arith.constant 0 : index
    %get3A_579 = vector.load %arg3[%get3A_574, %get3A_575, %get3A_576, %get3A_577, %get3A_578] : memref<43x1x4x8x128xf32, #tpu.memory_space<vmem>>, vector<1x1x4x8x128xf32>
    %get3A_580 = vector.shape_cast %get3A_579 : vector<1x1x4x8x128xf32> to vector<4x8x128xf32>
    %exp3A_581 = math.exp %get3A_580 : vector<4x8x128xf32>
    %mul3A_582 = arith.mulf %max3A_13, %div3A_276 : vector<4x8x128xf32>
    %max3A_583 = arith.constant 9.99999997E-7 : f32
    %max3A_584 = vector.broadcast %max3A_583 : f32 to vector<4x8x128xf32>
    %max3A_585 = arith.maximumf %mul3A_582, %max3A_584 : vector<4x8x128xf32>
    %mul3A_586 = arith.mulf %max3A_24, %div3A_276 : vector<4x8x128xf32>
    %max3A_587 = arith.constant 9.99999997E-7 : f32
    %max3A_588 = vector.broadcast %max3A_587 : f32 to vector<4x8x128xf32>
    %max3A_589 = arith.maximumf %mul3A_586, %max3A_588 : vector<4x8x128xf32>
    %mul3A_590 = arith.mulf %max3A_35, %div3A_276 : vector<4x8x128xf32>
    %max3A_591 = arith.constant 9.99999997E-7 : f32
    %max3A_592 = vector.broadcast %max3A_591 : f32 to vector<4x8x128xf32>
    %max3A_593 = arith.maximumf %mul3A_590, %max3A_592 : vector<4x8x128xf32>
    %mul3A_594 = arith.mulf %max3A_46, %div3A_276 : vector<4x8x128xf32>
    %max3A_595 = arith.constant 9.99999997E-7 : f32
    %max3A_596 = vector.broadcast %max3A_595 : f32 to vector<4x8x128xf32>
    %max3A_597 = arith.maximumf %mul3A_594, %max3A_596 : vector<4x8x128xf32>
    %mul3A_598 = arith.mulf %max3A_57, %div3A_276 : vector<4x8x128xf32>
    %max3A_599 = arith.constant 9.99999997E-7 : f32
    %max3A_600 = vector.broadcast %max3A_599 : f32 to vector<4x8x128xf32>
    %max3A_601 = arith.maximumf %mul3A_598, %max3A_600 : vector<4x8x128xf32>
    %mul3A_602 = arith.mulf %max3A_68, %div3A_276 : vector<4x8x128xf32>
    %max3A_603 = arith.constant 9.99999997E-7 : f32
    %max3A_604 = vector.broadcast %max3A_603 : f32 to vector<4x8x128xf32>
    %max3A_605 = arith.maximumf %mul3A_602, %max3A_604 : vector<4x8x128xf32>
    %mul3A_606 = arith.mulf %max3A_79, %div3A_276 : vector<4x8x128xf32>
    %max3A_607 = arith.constant 9.99999997E-7 : f32
    %max3A_608 = vector.broadcast %max3A_607 : f32 to vector<4x8x128xf32>
    %max3A_609 = arith.maximumf %mul3A_606, %max3A_608 : vector<4x8x128xf32>
    %mul3A_610 = arith.mulf %max3A_90, %div3A_276 : vector<4x8x128xf32>
    %max3A_611 = arith.constant 9.99999997E-7 : f32
    %max3A_612 = vector.broadcast %max3A_611 : f32 to vector<4x8x128xf32>
    %max3A_613 = arith.maximumf %mul3A_610, %max3A_612 : vector<4x8x128xf32>
    %mul3A_614 = arith.mulf %max3A_101, %div3A_276 : vector<4x8x128xf32>
    %max3A_615 = arith.constant 9.99999997E-7 : f32
    %max3A_616 = vector.broadcast %max3A_615 : f32 to vector<4x8x128xf32>
    %max3A_617 = arith.maximumf %mul3A_614, %max3A_616 : vector<4x8x128xf32>
    %mul3A_618 = arith.mulf %max3A_112, %div3A_276 : vector<4x8x128xf32>
    %max3A_619 = arith.constant 9.99999997E-7 : f32
    %max3A_620 = vector.broadcast %max3A_619 : f32 to vector<4x8x128xf32>
    %max3A_621 = arith.maximumf %mul3A_618, %max3A_620 : vector<4x8x128xf32>
    %mul3A_622 = arith.mulf %max3A_123, %div3A_276 : vector<4x8x128xf32>
    %max3A_623 = arith.constant 9.99999997E-7 : f32
    %max3A_624 = vector.broadcast %max3A_623 : f32 to vector<4x8x128xf32>
    %max3A_625 = arith.maximumf %mul3A_622, %max3A_624 : vector<4x8x128xf32>
    %mul3A_626 = arith.mulf %max3A_134, %div3A_276 : vector<4x8x128xf32>
    %max3A_627 = arith.constant 9.99999997E-7 : f32
    %max3A_628 = vector.broadcast %max3A_627 : f32 to vector<4x8x128xf32>
    %max3A_629 = arith.maximumf %mul3A_626, %max3A_628 : vector<4x8x128xf32>
    %mul3A_630 = arith.mulf %max3A_145, %div3A_276 : vector<4x8x128xf32>
    %max3A_631 = arith.constant 9.99999997E-7 : f32
    %max3A_632 = vector.broadcast %max3A_631 : f32 to vector<4x8x128xf32>
    %max3A_633 = arith.maximumf %mul3A_630, %max3A_632 : vector<4x8x128xf32>
    %mul3A_634 = arith.mulf %max3A_156, %div3A_276 : vector<4x8x128xf32>
    %max3A_635 = arith.constant 9.99999997E-7 : f32
    %max3A_636 = vector.broadcast %max3A_635 : f32 to vector<4x8x128xf32>
    %max3A_637 = arith.maximumf %mul3A_634, %max3A_636 : vector<4x8x128xf32>
    %mul3A_638 = arith.mulf %max3A_167, %div3A_276 : vector<4x8x128xf32>
    %max3A_639 = arith.constant 9.99999997E-7 : f32
    %max3A_640 = vector.broadcast %max3A_639 : f32 to vector<4x8x128xf32>
    %max3A_641 = arith.maximumf %mul3A_638, %max3A_640 : vector<4x8x128xf32>
    %mul3A_642 = arith.mulf %max3A_178, %div3A_276 : vector<4x8x128xf32>
    %max3A_643 = arith.constant 9.99999997E-7 : f32
    %max3A_644 = vector.broadcast %max3A_643 : f32 to vector<4x8x128xf32>
    %max3A_645 = arith.maximumf %mul3A_642, %max3A_644 : vector<4x8x128xf32>
    %mul3A_646 = arith.mulf %max3A_189, %div3A_276 : vector<4x8x128xf32>
    %max3A_647 = arith.constant 9.99999997E-7 : f32
    %max3A_648 = vector.broadcast %max3A_647 : f32 to vector<4x8x128xf32>
    %max3A_649 = arith.maximumf %mul3A_646, %max3A_648 : vector<4x8x128xf32>
    %mul3A_650 = arith.mulf %max3A_200, %div3A_276 : vector<4x8x128xf32>
    %max3A_651 = arith.constant 9.99999997E-7 : f32
    %max3A_652 = vector.broadcast %max3A_651 : f32 to vector<4x8x128xf32>
    %max3A_653 = arith.maximumf %mul3A_650, %max3A_652 : vector<4x8x128xf32>
    %mul3A_654 = arith.mulf %max3A_211, %div3A_276 : vector<4x8x128xf32>
    %max3A_655 = arith.constant 9.99999997E-7 : f32
    %max3A_656 = vector.broadcast %max3A_655 : f32 to vector<4x8x128xf32>
    %max3A_657 = arith.maximumf %mul3A_654, %max3A_656 : vector<4x8x128xf32>
    %mul3A_658 = arith.mulf %max3A_222, %div3A_276 : vector<4x8x128xf32>
    %max3A_659 = arith.constant 9.99999997E-7 : f32
    %max3A_660 = vector.broadcast %max3A_659 : f32 to vector<4x8x128xf32>
    %max3A_661 = arith.maximumf %mul3A_658, %max3A_660 : vector<4x8x128xf32>
    %mul3A_662 = arith.mulf %max3A_233, %div3A_276 : vector<4x8x128xf32>
    %max3A_663 = arith.constant 9.99999997E-7 : f32
    %max3A_664 = vector.broadcast %max3A_663 : f32 to vector<4x8x128xf32>
    %max3A_665 = arith.maximumf %mul3A_662, %max3A_664 : vector<4x8x128xf32>
    %add3A_666 = arith.addf %exp3A_413, %exp3A_421 : vector<4x8x128xf32>
    %mul3A_667 = arith.constant 5.000000e-01 : f32
    %mul3A_668 = vector.broadcast %mul3A_667 : f32 to vector<4x8x128xf32>
    %mul3A_669 = arith.mulf %add3A_666, %mul3A_668 : vector<4x8x128xf32>
    %mul3A_670 = arith.mulf %mul3A_669, %max3A_585 : vector<4x8x128xf32>
    %add3A_671 = arith.addf %exp3A_421, %exp3A_429 : vector<4x8x128xf32>
    %mul3A_672 = arith.constant 5.000000e-01 : f32
    %mul3A_673 = vector.broadcast %mul3A_672 : f32 to vector<4x8x128xf32>
    %mul3A_674 = arith.mulf %add3A_671, %mul3A_673 : vector<4x8x128xf32>
    %mul3A_675 = arith.mulf %mul3A_674, %max3A_589 : vector<4x8x128xf32>
    %add3A_676 = arith.addf %mul3A_670, %mul3A_675 : vector<4x8x128xf32>
    %add3A_677 = arith.addf %exp3A_429, %exp3A_437 : vector<4x8x128xf32>
    %mul3A_678 = arith.constant 5.000000e-01 : f32
    %mul3A_679 = vector.broadcast %mul3A_678 : f32 to vector<4x8x128xf32>
    %mul3A_680 = arith.mulf %add3A_677, %mul3A_679 : vector<4x8x128xf32>
    %mul3A_681 = arith.mulf %mul3A_680, %max3A_593 : vector<4x8x128xf32>
    %add3A_682 = arith.addf %add3A_676, %mul3A_681 : vector<4x8x128xf32>
    %add3A_683 = arith.addf %exp3A_437, %exp3A_445 : vector<4x8x128xf32>
    %mul3A_684 = arith.constant 5.000000e-01 : f32
    %mul3A_685 = vector.broadcast %mul3A_684 : f32 to vector<4x8x128xf32>
    %mul3A_686 = arith.mulf %add3A_683, %mul3A_685 : vector<4x8x128xf32>
    %mul3A_687 = arith.mulf %mul3A_686, %max3A_597 : vector<4x8x128xf32>
    %add3A_688 = arith.addf %add3A_682, %mul3A_687 : vector<4x8x128xf32>
    %add3A_689 = arith.addf %exp3A_445, %exp3A_453 : vector<4x8x128xf32>
    %mul3A_690 = arith.constant 5.000000e-01 : f32
    %mul3A_691 = vector.broadcast %mul3A_690 : f32 to vector<4x8x128xf32>
    %mul3A_692 = arith.mulf %add3A_689, %mul3A_691 : vector<4x8x128xf32>
    %mul3A_693 = arith.mulf %mul3A_692, %max3A_601 : vector<4x8x128xf32>
    %add3A_694 = arith.addf %add3A_688, %mul3A_693 : vector<4x8x128xf32>
    %add3A_695 = arith.addf %exp3A_453, %exp3A_461 : vector<4x8x128xf32>
    %mul3A_696 = arith.constant 5.000000e-01 : f32
    %mul3A_697 = vector.broadcast %mul3A_696 : f32 to vector<4x8x128xf32>
    %mul3A_698 = arith.mulf %add3A_695, %mul3A_697 : vector<4x8x128xf32>
    %mul3A_699 = arith.mulf %mul3A_698, %max3A_605 : vector<4x8x128xf32>
    %add3A_700 = arith.addf %add3A_694, %mul3A_699 : vector<4x8x128xf32>
    %add3A_701 = arith.addf %exp3A_461, %exp3A_469 : vector<4x8x128xf32>
    %mul3A_702 = arith.constant 5.000000e-01 : f32
    %mul3A_703 = vector.broadcast %mul3A_702 : f32 to vector<4x8x128xf32>
    %mul3A_704 = arith.mulf %add3A_701, %mul3A_703 : vector<4x8x128xf32>
    %mul3A_705 = arith.mulf %mul3A_704, %max3A_609 : vector<4x8x128xf32>
    %add3A_706 = arith.addf %add3A_700, %mul3A_705 : vector<4x8x128xf32>
    %add3A_707 = arith.addf %exp3A_469, %exp3A_477 : vector<4x8x128xf32>
    %mul3A_708 = arith.constant 5.000000e-01 : f32
    %mul3A_709 = vector.broadcast %mul3A_708 : f32 to vector<4x8x128xf32>
    %mul3A_710 = arith.mulf %add3A_707, %mul3A_709 : vector<4x8x128xf32>
    %mul3A_711 = arith.mulf %mul3A_710, %max3A_613 : vector<4x8x128xf32>
    %add3A_712 = arith.addf %add3A_706, %mul3A_711 : vector<4x8x128xf32>
    %add3A_713 = arith.addf %exp3A_477, %exp3A_485 : vector<4x8x128xf32>
    %mul3A_714 = arith.constant 5.000000e-01 : f32
    %mul3A_715 = vector.broadcast %mul3A_714 : f32 to vector<4x8x128xf32>
    %mul3A_716 = arith.mulf %add3A_713, %mul3A_715 : vector<4x8x128xf32>
    %mul3A_717 = arith.mulf %mul3A_716, %max3A_617 : vector<4x8x128xf32>
    %add3A_718 = arith.addf %add3A_712, %mul3A_717 : vector<4x8x128xf32>
    %add3A_719 = arith.addf %exp3A_485, %exp3A_493 : vector<4x8x128xf32>
    %mul3A_720 = arith.constant 5.000000e-01 : f32
    %mul3A_721 = vector.broadcast %mul3A_720 : f32 to vector<4x8x128xf32>
    %mul3A_722 = arith.mulf %add3A_719, %mul3A_721 : vector<4x8x128xf32>
    %mul3A_723 = arith.mulf %mul3A_722, %max3A_621 : vector<4x8x128xf32>
    %add3A_724 = arith.addf %add3A_718, %mul3A_723 : vector<4x8x128xf32>
    %add3A_725 = arith.addf %exp3A_493, %exp3A_501 : vector<4x8x128xf32>
    %mul3A_726 = arith.constant 5.000000e-01 : f32
    %mul3A_727 = vector.broadcast %mul3A_726 : f32 to vector<4x8x128xf32>
    %mul3A_728 = arith.mulf %add3A_725, %mul3A_727 : vector<4x8x128xf32>
    %mul3A_729 = arith.mulf %mul3A_728, %max3A_625 : vector<4x8x128xf32>
    %add3A_730 = arith.addf %add3A_724, %mul3A_729 : vector<4x8x128xf32>
    %add3A_731 = arith.addf %exp3A_501, %exp3A_509 : vector<4x8x128xf32>
    %mul3A_732 = arith.constant 5.000000e-01 : f32
    %mul3A_733 = vector.broadcast %mul3A_732 : f32 to vector<4x8x128xf32>
    %mul3A_734 = arith.mulf %add3A_731, %mul3A_733 : vector<4x8x128xf32>
    %mul3A_735 = arith.mulf %mul3A_734, %max3A_629 : vector<4x8x128xf32>
    %add3A_736 = arith.addf %add3A_730, %mul3A_735 : vector<4x8x128xf32>
    %add3A_737 = arith.addf %exp3A_509, %exp3A_517 : vector<4x8x128xf32>
    %mul3A_738 = arith.constant 5.000000e-01 : f32
    %mul3A_739 = vector.broadcast %mul3A_738 : f32 to vector<4x8x128xf32>
    %mul3A_740 = arith.mulf %add3A_737, %mul3A_739 : vector<4x8x128xf32>
    %mul3A_741 = arith.mulf %mul3A_740, %max3A_633 : vector<4x8x128xf32>
    %add3A_742 = arith.addf %add3A_736, %mul3A_741 : vector<4x8x128xf32>
    %add3A_743 = arith.addf %exp3A_517, %exp3A_525 : vector<4x8x128xf32>
    %mul3A_744 = arith.constant 5.000000e-01 : f32
    %mul3A_745 = vector.broadcast %mul3A_744 : f32 to vector<4x8x128xf32>
    %mul3A_746 = arith.mulf %add3A_743, %mul3A_745 : vector<4x8x128xf32>
    %mul3A_747 = arith.mulf %mul3A_746, %max3A_637 : vector<4x8x128xf32>
    %add3A_748 = arith.addf %add3A_742, %mul3A_747 : vector<4x8x128xf32>
    %add3A_749 = arith.addf %exp3A_525, %exp3A_533 : vector<4x8x128xf32>
    %mul3A_750 = arith.constant 5.000000e-01 : f32
    %mul3A_751 = vector.broadcast %mul3A_750 : f32 to vector<4x8x128xf32>
    %mul3A_752 = arith.mulf %add3A_749, %mul3A_751 : vector<4x8x128xf32>
    %mul3A_753 = arith.mulf %mul3A_752, %max3A_641 : vector<4x8x128xf32>
    %add3A_754 = arith.addf %add3A_748, %mul3A_753 : vector<4x8x128xf32>
    %add3A_755 = arith.addf %exp3A_533, %exp3A_541 : vector<4x8x128xf32>
    %mul3A_756 = arith.constant 5.000000e-01 : f32
    %mul3A_757 = vector.broadcast %mul3A_756 : f32 to vector<4x8x128xf32>
    %mul3A_758 = arith.mulf %add3A_755, %mul3A_757 : vector<4x8x128xf32>
    %mul3A_759 = arith.mulf %mul3A_758, %max3A_645 : vector<4x8x128xf32>
    %add3A_760 = arith.addf %add3A_754, %mul3A_759 : vector<4x8x128xf32>
    %add3A_761 = arith.addf %exp3A_541, %exp3A_549 : vector<4x8x128xf32>
    %mul3A_762 = arith.constant 5.000000e-01 : f32
    %mul3A_763 = vector.broadcast %mul3A_762 : f32 to vector<4x8x128xf32>
    %mul3A_764 = arith.mulf %add3A_761, %mul3A_763 : vector<4x8x128xf32>
    %mul3A_765 = arith.mulf %mul3A_764, %max3A_649 : vector<4x8x128xf32>
    %add3A_766 = arith.addf %add3A_760, %mul3A_765 : vector<4x8x128xf32>
    %add3A_767 = arith.addf %exp3A_549, %exp3A_557 : vector<4x8x128xf32>
    %mul3A_768 = arith.constant 5.000000e-01 : f32
    %mul3A_769 = vector.broadcast %mul3A_768 : f32 to vector<4x8x128xf32>
    %mul3A_770 = arith.mulf %add3A_767, %mul3A_769 : vector<4x8x128xf32>
    %mul3A_771 = arith.mulf %mul3A_770, %max3A_653 : vector<4x8x128xf32>
    %add3A_772 = arith.addf %add3A_766, %mul3A_771 : vector<4x8x128xf32>
    %add3A_773 = arith.addf %exp3A_557, %exp3A_565 : vector<4x8x128xf32>
    %mul3A_774 = arith.constant 5.000000e-01 : f32
    %mul3A_775 = vector.broadcast %mul3A_774 : f32 to vector<4x8x128xf32>
    %mul3A_776 = arith.mulf %add3A_773, %mul3A_775 : vector<4x8x128xf32>
    %mul3A_777 = arith.mulf %mul3A_776, %max3A_657 : vector<4x8x128xf32>
    %add3A_778 = arith.addf %add3A_772, %mul3A_777 : vector<4x8x128xf32>
    %add3A_779 = arith.addf %exp3A_565, %exp3A_573 : vector<4x8x128xf32>
    %mul3A_780 = arith.constant 5.000000e-01 : f32
    %mul3A_781 = vector.broadcast %mul3A_780 : f32 to vector<4x8x128xf32>
    %mul3A_782 = arith.mulf %add3A_779, %mul3A_781 : vector<4x8x128xf32>
    %mul3A_783 = arith.mulf %mul3A_782, %max3A_661 : vector<4x8x128xf32>
    %add3A_784 = arith.addf %add3A_778, %mul3A_783 : vector<4x8x128xf32>
    %add3A_785 = arith.addf %exp3A_573, %exp3A_581 : vector<4x8x128xf32>
    %mul3A_786 = arith.constant 5.000000e-01 : f32
    %mul3A_787 = vector.broadcast %mul3A_786 : f32 to vector<4x8x128xf32>
    %mul3A_788 = arith.mulf %add3A_785, %mul3A_787 : vector<4x8x128xf32>
    %mul3A_789 = arith.mulf %mul3A_788, %max3A_665 : vector<4x8x128xf32>
    %add3A_790 = arith.addf %add3A_784, %mul3A_789 : vector<4x8x128xf32>
    %div3A_791 = arith.constant 1.000000e+00 : f32
    %div3A_792 = vector.broadcast %div3A_791 : f32 to vector<4x8x128xf32>
    %div3A_793 = arith.divf %div3A_792, %add3A_790 : vector<4x8x128xf32>
    %mul3A_794 = arith.mulf %exp3A_413, %div3A_793 : vector<4x8x128xf32>
    %max3A_795 = arith.constant 9.99999997E-7 : f32
    %max3A_796 = vector.broadcast %max3A_795 : f32 to vector<4x8x128xf32>
    %max3A_797 = arith.maximumf %mul3A_794, %max3A_796 : vector<4x8x128xf32>
    %mul3A_798 = arith.mulf %exp3A_421, %div3A_793 : vector<4x8x128xf32>
    %max3A_799 = arith.constant 9.99999997E-7 : f32
    %max3A_800 = vector.broadcast %max3A_799 : f32 to vector<4x8x128xf32>
    %max3A_801 = arith.maximumf %mul3A_798, %max3A_800 : vector<4x8x128xf32>
    %mul3A_802 = arith.mulf %exp3A_429, %div3A_793 : vector<4x8x128xf32>
    %max3A_803 = arith.constant 9.99999997E-7 : f32
    %max3A_804 = vector.broadcast %max3A_803 : f32 to vector<4x8x128xf32>
    %max3A_805 = arith.maximumf %mul3A_802, %max3A_804 : vector<4x8x128xf32>
    %mul3A_806 = arith.mulf %exp3A_437, %div3A_793 : vector<4x8x128xf32>
    %max3A_807 = arith.constant 9.99999997E-7 : f32
    %max3A_808 = vector.broadcast %max3A_807 : f32 to vector<4x8x128xf32>
    %max3A_809 = arith.maximumf %mul3A_806, %max3A_808 : vector<4x8x128xf32>
    %mul3A_810 = arith.mulf %exp3A_445, %div3A_793 : vector<4x8x128xf32>
    %max3A_811 = arith.constant 9.99999997E-7 : f32
    %max3A_812 = vector.broadcast %max3A_811 : f32 to vector<4x8x128xf32>
    %max3A_813 = arith.maximumf %mul3A_810, %max3A_812 : vector<4x8x128xf32>
    %mul3A_814 = arith.mulf %exp3A_453, %div3A_793 : vector<4x8x128xf32>
    %max3A_815 = arith.constant 9.99999997E-7 : f32
    %max3A_816 = vector.broadcast %max3A_815 : f32 to vector<4x8x128xf32>
    %max3A_817 = arith.maximumf %mul3A_814, %max3A_816 : vector<4x8x128xf32>
    %mul3A_818 = arith.mulf %exp3A_461, %div3A_793 : vector<4x8x128xf32>
    %max3A_819 = arith.constant 9.99999997E-7 : f32
    %max3A_820 = vector.broadcast %max3A_819 : f32 to vector<4x8x128xf32>
    %max3A_821 = arith.maximumf %mul3A_818, %max3A_820 : vector<4x8x128xf32>
    %mul3A_822 = arith.mulf %exp3A_469, %div3A_793 : vector<4x8x128xf32>
    %max3A_823 = arith.constant 9.99999997E-7 : f32
    %max3A_824 = vector.broadcast %max3A_823 : f32 to vector<4x8x128xf32>
    %max3A_825 = arith.maximumf %mul3A_822, %max3A_824 : vector<4x8x128xf32>
    %mul3A_826 = arith.mulf %exp3A_477, %div3A_793 : vector<4x8x128xf32>
    %max3A_827 = arith.constant 9.99999997E-7 : f32
    %max3A_828 = vector.broadcast %max3A_827 : f32 to vector<4x8x128xf32>
    %max3A_829 = arith.maximumf %mul3A_826, %max3A_828 : vector<4x8x128xf32>
    %mul3A_830 = arith.mulf %exp3A_485, %div3A_793 : vector<4x8x128xf32>
    %max3A_831 = arith.constant 9.99999997E-7 : f32
    %max3A_832 = vector.broadcast %max3A_831 : f32 to vector<4x8x128xf32>
    %max3A_833 = arith.maximumf %mul3A_830, %max3A_832 : vector<4x8x128xf32>
    %mul3A_834 = arith.mulf %exp3A_493, %div3A_793 : vector<4x8x128xf32>
    %max3A_835 = arith.constant 9.99999997E-7 : f32
    %max3A_836 = vector.broadcast %max3A_835 : f32 to vector<4x8x128xf32>
    %max3A_837 = arith.maximumf %mul3A_834, %max3A_836 : vector<4x8x128xf32>
    %mul3A_838 = arith.mulf %exp3A_501, %div3A_793 : vector<4x8x128xf32>
    %max3A_839 = arith.constant 9.99999997E-7 : f32
    %max3A_840 = vector.broadcast %max3A_839 : f32 to vector<4x8x128xf32>
    %max3A_841 = arith.maximumf %mul3A_838, %max3A_840 : vector<4x8x128xf32>
    %mul3A_842 = arith.mulf %exp3A_509, %div3A_793 : vector<4x8x128xf32>
    %max3A_843 = arith.constant 9.99999997E-7 : f32
    %max3A_844 = vector.broadcast %max3A_843 : f32 to vector<4x8x128xf32>
    %max3A_845 = arith.maximumf %mul3A_842, %max3A_844 : vector<4x8x128xf32>
    %mul3A_846 = arith.mulf %exp3A_517, %div3A_793 : vector<4x8x128xf32>
    %max3A_847 = arith.constant 9.99999997E-7 : f32
    %max3A_848 = vector.broadcast %max3A_847 : f32 to vector<4x8x128xf32>
    %max3A_849 = arith.maximumf %mul3A_846, %max3A_848 : vector<4x8x128xf32>
    %mul3A_850 = arith.mulf %exp3A_525, %div3A_793 : vector<4x8x128xf32>
    %max3A_851 = arith.constant 9.99999997E-7 : f32
    %max3A_852 = vector.broadcast %max3A_851 : f32 to vector<4x8x128xf32>
    %max3A_853 = arith.maximumf %mul3A_850, %max3A_852 : vector<4x8x128xf32>
    %mul3A_854 = arith.mulf %exp3A_533, %div3A_793 : vector<4x8x128xf32>
    %max3A_855 = arith.constant 9.99999997E-7 : f32
    %max3A_856 = vector.broadcast %max3A_855 : f32 to vector<4x8x128xf32>
    %max3A_857 = arith.maximumf %mul3A_854, %max3A_856 : vector<4x8x128xf32>
    %mul3A_858 = arith.mulf %exp3A_541, %div3A_793 : vector<4x8x128xf32>
    %max3A_859 = arith.constant 9.99999997E-7 : f32
    %max3A_860 = vector.broadcast %max3A_859 : f32 to vector<4x8x128xf32>
    %max3A_861 = arith.maximumf %mul3A_858, %max3A_860 : vector<4x8x128xf32>
    %mul3A_862 = arith.mulf %exp3A_549, %div3A_793 : vector<4x8x128xf32>
    %max3A_863 = arith.constant 9.99999997E-7 : f32
    %max3A_864 = vector.broadcast %max3A_863 : f32 to vector<4x8x128xf32>
    %max3A_865 = arith.maximumf %mul3A_862, %max3A_864 : vector<4x8x128xf32>
    %mul3A_866 = arith.mulf %exp3A_557, %div3A_793 : vector<4x8x128xf32>
    %max3A_867 = arith.constant 9.99999997E-7 : f32
    %max3A_868 = vector.broadcast %max3A_867 : f32 to vector<4x8x128xf32>
    %max3A_869 = arith.maximumf %mul3A_866, %max3A_868 : vector<4x8x128xf32>
    %mul3A_870 = arith.mulf %exp3A_565, %div3A_793 : vector<4x8x128xf32>
    %max3A_871 = arith.constant 9.99999997E-7 : f32
    %max3A_872 = vector.broadcast %max3A_871 : f32 to vector<4x8x128xf32>
    %max3A_873 = arith.maximumf %mul3A_870, %max3A_872 : vector<4x8x128xf32>
    %mul3A_874 = arith.mulf %exp3A_573, %div3A_793 : vector<4x8x128xf32>
    %max3A_875 = arith.constant 9.99999997E-7 : f32
    %max3A_876 = vector.broadcast %max3A_875 : f32 to vector<4x8x128xf32>
    %max3A_877 = arith.maximumf %mul3A_874, %max3A_876 : vector<4x8x128xf32>
    %mul3A_878 = arith.mulf %exp3A_581, %div3A_793 : vector<4x8x128xf32>
    %max3A_879 = arith.constant 9.99999997E-7 : f32
    %max3A_880 = vector.broadcast %max3A_879 : f32 to vector<4x8x128xf32>
    %max3A_881 = arith.maximumf %mul3A_878, %max3A_880 : vector<4x8x128xf32>
    %select_n3A_882 = arith.select %le3A, %max3A_801, %max3A_797 : vector<4x8x128xi1>, vector<4x8x128xf32>
    %select_n3A_883 = arith.select %le3A, %max3A_805, %max3A_801 : vector<4x8x128xi1>, vector<4x8x128xf32>
    %select_n3A_884 = arith.select %le3A_277, %max3A_805, %select_n3A_882 : vector<4x8x128xi1>, vector<4x8x128xf32>
    %select_n3A_885 = arith.select %le3A_277, %max3A_809, %select_n3A_883 : vector<4x8x128xi1>, vector<4x8x128xf32>
    %select_n3A_886 = arith.select %le3A_278, %max3A_809, %select_n3A_884 : vector<4x8x128xi1>, vector<4x8x128xf32>
    %select_n3A_887 = arith.select %le3A_278, %max3A_813, %select_n3A_885 : vector<4x8x128xi1>, vector<4x8x128xf32>
    %select_n3A_888 = arith.select %le3A_279, %max3A_813, %select_n3A_886 : vector<4x8x128xi1>, vector<4x8x128xf32>
    %select_n3A_889 = arith.select %le3A_279, %max3A_817, %select_n3A_887 : vector<4x8x128xi1>, vector<4x8x128xf32>
    %select_n3A_890 = arith.select %le3A_280, %max3A_817, %select_n3A_888 : vector<4x8x128xi1>, vector<4x8x128xf32>
    %select_n3A_891 = arith.select %le3A_280, %max3A_821, %select_n3A_889 : vector<4x8x128xi1>, vector<4x8x128xf32>
    %select_n3A_892 = arith.select %le3A_281, %max3A_821, %select_n3A_890 : vector<4x8x128xi1>, vector<4x8x128xf32>
    %select_n3A_893 = arith.select %le3A_281, %max3A_825, %select_n3A_891 : vector<4x8x128xi1>, vector<4x8x128xf32>
    %select_n3A_894 = arith.select %le3A_282, %max3A_825, %select_n3A_892 : vector<4x8x128xi1>, vector<4x8x128xf32>
    %select_n3A_895 = arith.select %le3A_282, %max3A_829, %select_n3A_893 : vector<4x8x128xi1>, vector<4x8x128xf32>
    %select_n3A_896 = arith.select %le3A_283, %max3A_829, %select_n3A_894 : vector<4x8x128xi1>, vector<4x8x128xf32>
    %select_n3A_897 = arith.select %le3A_283, %max3A_833, %select_n3A_895 : vector<4x8x128xi1>, vector<4x8x128xf32>
    %select_n3A_898 = arith.select %le3A_284, %max3A_833, %select_n3A_896 : vector<4x8x128xi1>, vector<4x8x128xf32>
    %select_n3A_899 = arith.select %le3A_284, %max3A_837, %select_n3A_897 : vector<4x8x128xi1>, vector<4x8x128xf32>
    %select_n3A_900 = arith.select %le3A_285, %max3A_837, %select_n3A_898 : vector<4x8x128xi1>, vector<4x8x128xf32>
    %select_n3A_901 = arith.select %le3A_285, %max3A_841, %select_n3A_899 : vector<4x8x128xi1>, vector<4x8x128xf32>
    %select_n3A_902 = arith.select %le3A_286, %max3A_841, %select_n3A_900 : vector<4x8x128xi1>, vector<4x8x128xf32>
    %select_n3A_903 = arith.select %le3A_286, %max3A_845, %select_n3A_901 : vector<4x8x128xi1>, vector<4x8x128xf32>
    %select_n3A_904 = arith.select %le3A_287, %max3A_845, %select_n3A_902 : vector<4x8x128xi1>, vector<4x8x128xf32>
    %select_n3A_905 = arith.select %le3A_287, %max3A_849, %select_n3A_903 : vector<4x8x128xi1>, vector<4x8x128xf32>
    %select_n3A_906 = arith.select %le3A_288, %max3A_849, %select_n3A_904 : vector<4x8x128xi1>, vector<4x8x128xf32>
    %select_n3A_907 = arith.select %le3A_288, %max3A_853, %select_n3A_905 : vector<4x8x128xi1>, vector<4x8x128xf32>
    %select_n3A_908 = arith.select %le3A_289, %max3A_853, %select_n3A_906 : vector<4x8x128xi1>, vector<4x8x128xf32>
    %select_n3A_909 = arith.select %le3A_289, %max3A_857, %select_n3A_907 : vector<4x8x128xi1>, vector<4x8x128xf32>
    %select_n3A_910 = arith.select %le3A_290, %max3A_857, %select_n3A_908 : vector<4x8x128xi1>, vector<4x8x128xf32>
    %select_n3A_911 = arith.select %le3A_290, %max3A_861, %select_n3A_909 : vector<4x8x128xi1>, vector<4x8x128xf32>
    %select_n3A_912 = arith.select %le3A_291, %max3A_861, %select_n3A_910 : vector<4x8x128xi1>, vector<4x8x128xf32>
    %select_n3A_913 = arith.select %le3A_291, %max3A_865, %select_n3A_911 : vector<4x8x128xi1>, vector<4x8x128xf32>
    %select_n3A_914 = arith.select %le3A_292, %max3A_865, %select_n3A_912 : vector<4x8x128xi1>, vector<4x8x128xf32>
    %select_n3A_915 = arith.select %le3A_292, %max3A_869, %select_n3A_913 : vector<4x8x128xi1>, vector<4x8x128xf32>
    %select_n3A_916 = arith.select %le3A_293, %max3A_869, %select_n3A_914 : vector<4x8x128xi1>, vector<4x8x128xf32>
    %select_n3A_917 = arith.select %le3A_293, %max3A_873, %select_n3A_915 : vector<4x8x128xi1>, vector<4x8x128xf32>
    %select_n3A_918 = arith.select %le3A_294, %max3A_873, %select_n3A_916 : vector<4x8x128xi1>, vector<4x8x128xf32>
    %select_n3A_919 = arith.select %le3A_294, %max3A_877, %select_n3A_917 : vector<4x8x128xi1>, vector<4x8x128xf32>
    %select_n3A_920 = arith.select %le3A_295, %max3A_877, %select_n3A_918 : vector<4x8x128xi1>, vector<4x8x128xf32>
    %select_n3A_921 = arith.select %le3A_295, %max3A_881, %select_n3A_919 : vector<4x8x128xi1>, vector<4x8x128xf32>
    %broadcast_in_dim3A_922 = arith.constant 0.000000e+00 : f32
    %broadcast_in_dim3A_923 = vector.broadcast %broadcast_in_dim3A_922 : f32 to vector<4x8x128xf32>
    %add3A_924 = arith.addf %max3A_797, %max3A_801 : vector<4x8x128xf32>
    %mul3A_925 = arith.constant 5.000000e-01 : f32
    %mul3A_926 = vector.broadcast %mul3A_925 : f32 to vector<4x8x128xf32>
    %mul3A_927 = arith.mulf %add3A_924, %mul3A_926 : vector<4x8x128xf32>
    %mul3A_928 = arith.mulf %mul3A_927, %max3A_585 : vector<4x8x128xf32>
    %jit3A_929 = arith.constant 0.000000e+00 : f32
    %broadcast_in_dim3A_930 = vector.broadcast %jit3A_929 : f32 to vector<4x8x128xf32>
    %select_n3A_931 = arith.select %le3A, %mul3A_928, %broadcast_in_dim3A_930 : vector<4x8x128xi1>, vector<4x8x128xf32>
    %add3A_932 = arith.addf %broadcast_in_dim3A_923, %select_n3A_931 : vector<4x8x128xf32>
    %add3A_933 = arith.addf %max3A_801, %max3A_805 : vector<4x8x128xf32>
    %mul3A_934 = arith.constant 5.000000e-01 : f32
    %mul3A_935 = vector.broadcast %mul3A_934 : f32 to vector<4x8x128xf32>
    %mul3A_936 = arith.mulf %add3A_933, %mul3A_935 : vector<4x8x128xf32>
    %mul3A_937 = arith.mulf %mul3A_936, %max3A_589 : vector<4x8x128xf32>
    %jit3A_938 = arith.constant 0.000000e+00 : f32
    %broadcast_in_dim3A_939 = vector.broadcast %jit3A_938 : f32 to vector<4x8x128xf32>
    %select_n3A_940 = arith.select %le3A_277, %mul3A_937, %broadcast_in_dim3A_939 : vector<4x8x128xi1>, vector<4x8x128xf32>
    %add3A_941 = arith.addf %add3A_932, %select_n3A_940 : vector<4x8x128xf32>
    %add3A_942 = arith.addf %max3A_805, %max3A_809 : vector<4x8x128xf32>
    %mul3A_943 = arith.constant 5.000000e-01 : f32
    %mul3A_944 = vector.broadcast %mul3A_943 : f32 to vector<4x8x128xf32>
    %mul3A_945 = arith.mulf %add3A_942, %mul3A_944 : vector<4x8x128xf32>
    %mul3A_946 = arith.mulf %mul3A_945, %max3A_593 : vector<4x8x128xf32>
    %jit3A_947 = arith.constant 0.000000e+00 : f32
    %broadcast_in_dim3A_948 = vector.broadcast %jit3A_947 : f32 to vector<4x8x128xf32>
    %select_n3A_949 = arith.select %le3A_278, %mul3A_946, %broadcast_in_dim3A_948 : vector<4x8x128xi1>, vector<4x8x128xf32>
    %add3A_950 = arith.addf %add3A_941, %select_n3A_949 : vector<4x8x128xf32>
    %add3A_951 = arith.addf %max3A_809, %max3A_813 : vector<4x8x128xf32>
    %mul3A_952 = arith.constant 5.000000e-01 : f32
    %mul3A_953 = vector.broadcast %mul3A_952 : f32 to vector<4x8x128xf32>
    %mul3A_954 = arith.mulf %add3A_951, %mul3A_953 : vector<4x8x128xf32>
    %mul3A_955 = arith.mulf %mul3A_954, %max3A_597 : vector<4x8x128xf32>
    %jit3A_956 = arith.constant 0.000000e+00 : f32
    %broadcast_in_dim3A_957 = vector.broadcast %jit3A_956 : f32 to vector<4x8x128xf32>
    %select_n3A_958 = arith.select %le3A_279, %mul3A_955, %broadcast_in_dim3A_957 : vector<4x8x128xi1>, vector<4x8x128xf32>
    %add3A_959 = arith.addf %add3A_950, %select_n3A_958 : vector<4x8x128xf32>
    %add3A_960 = arith.addf %max3A_813, %max3A_817 : vector<4x8x128xf32>
    %mul3A_961 = arith.constant 5.000000e-01 : f32
    %mul3A_962 = vector.broadcast %mul3A_961 : f32 to vector<4x8x128xf32>
    %mul3A_963 = arith.mulf %add3A_960, %mul3A_962 : vector<4x8x128xf32>
    %mul3A_964 = arith.mulf %mul3A_963, %max3A_601 : vector<4x8x128xf32>
    %jit3A_965 = arith.constant 0.000000e+00 : f32
    %broadcast_in_dim3A_966 = vector.broadcast %jit3A_965 : f32 to vector<4x8x128xf32>
    %select_n3A_967 = arith.select %le3A_280, %mul3A_964, %broadcast_in_dim3A_966 : vector<4x8x128xi1>, vector<4x8x128xf32>
    %add3A_968 = arith.addf %add3A_959, %select_n3A_967 : vector<4x8x128xf32>
    %add3A_969 = arith.addf %max3A_817, %max3A_821 : vector<4x8x128xf32>
    %mul3A_970 = arith.constant 5.000000e-01 : f32
    %mul3A_971 = vector.broadcast %mul3A_970 : f32 to vector<4x8x128xf32>
    %mul3A_972 = arith.mulf %add3A_969, %mul3A_971 : vector<4x8x128xf32>
    %mul3A_973 = arith.mulf %mul3A_972, %max3A_605 : vector<4x8x128xf32>
    %jit3A_974 = arith.constant 0.000000e+00 : f32
    %broadcast_in_dim3A_975 = vector.broadcast %jit3A_974 : f32 to vector<4x8x128xf32>
    %select_n3A_976 = arith.select %le3A_281, %mul3A_973, %broadcast_in_dim3A_975 : vector<4x8x128xi1>, vector<4x8x128xf32>
    %add3A_977 = arith.addf %add3A_968, %select_n3A_976 : vector<4x8x128xf32>
    %add3A_978 = arith.addf %max3A_821, %max3A_825 : vector<4x8x128xf32>
    %mul3A_979 = arith.constant 5.000000e-01 : f32
    %mul3A_980 = vector.broadcast %mul3A_979 : f32 to vector<4x8x128xf32>
    %mul3A_981 = arith.mulf %add3A_978, %mul3A_980 : vector<4x8x128xf32>
    %mul3A_982 = arith.mulf %mul3A_981, %max3A_609 : vector<4x8x128xf32>
    %jit3A_983 = arith.constant 0.000000e+00 : f32
    %broadcast_in_dim3A_984 = vector.broadcast %jit3A_983 : f32 to vector<4x8x128xf32>
    %select_n3A_985 = arith.select %le3A_282, %mul3A_982, %broadcast_in_dim3A_984 : vector<4x8x128xi1>, vector<4x8x128xf32>
    %add3A_986 = arith.addf %add3A_977, %select_n3A_985 : vector<4x8x128xf32>
    %add3A_987 = arith.addf %max3A_825, %max3A_829 : vector<4x8x128xf32>
    %mul3A_988 = arith.constant 5.000000e-01 : f32
    %mul3A_989 = vector.broadcast %mul3A_988 : f32 to vector<4x8x128xf32>
    %mul3A_990 = arith.mulf %add3A_987, %mul3A_989 : vector<4x8x128xf32>
    %mul3A_991 = arith.mulf %mul3A_990, %max3A_613 : vector<4x8x128xf32>
    %jit3A_992 = arith.constant 0.000000e+00 : f32
    %broadcast_in_dim3A_993 = vector.broadcast %jit3A_992 : f32 to vector<4x8x128xf32>
    %select_n3A_994 = arith.select %le3A_283, %mul3A_991, %broadcast_in_dim3A_993 : vector<4x8x128xi1>, vector<4x8x128xf32>
    %add3A_995 = arith.addf %add3A_986, %select_n3A_994 : vector<4x8x128xf32>
    %add3A_996 = arith.addf %max3A_829, %max3A_833 : vector<4x8x128xf32>
    %mul3A_997 = arith.constant 5.000000e-01 : f32
    %mul3A_998 = vector.broadcast %mul3A_997 : f32 to vector<4x8x128xf32>
    %mul3A_999 = arith.mulf %add3A_996, %mul3A_998 : vector<4x8x128xf32>
    %mul3A_1000 = arith.mulf %mul3A_999, %max3A_617 : vector<4x8x128xf32>
    %jit3A_1001 = arith.constant 0.000000e+00 : f32
    %broadcast_in_dim3A_1002 = vector.broadcast %jit3A_1001 : f32 to vector<4x8x128xf32>
    %select_n3A_1003 = arith.select %le3A_284, %mul3A_1000, %broadcast_in_dim3A_1002 : vector<4x8x128xi1>, vector<4x8x128xf32>
    %add3A_1004 = arith.addf %add3A_995, %select_n3A_1003 : vector<4x8x128xf32>
    %add3A_1005 = arith.addf %max3A_833, %max3A_837 : vector<4x8x128xf32>
    %mul3A_1006 = arith.constant 5.000000e-01 : f32
    %mul3A_1007 = vector.broadcast %mul3A_1006 : f32 to vector<4x8x128xf32>
    %mul3A_1008 = arith.mulf %add3A_1005, %mul3A_1007 : vector<4x8x128xf32>
    %mul3A_1009 = arith.mulf %mul3A_1008, %max3A_621 : vector<4x8x128xf32>
    %jit3A_1010 = arith.constant 0.000000e+00 : f32
    %broadcast_in_dim3A_1011 = vector.broadcast %jit3A_1010 : f32 to vector<4x8x128xf32>
    %select_n3A_1012 = arith.select %le3A_285, %mul3A_1009, %broadcast_in_dim3A_1011 : vector<4x8x128xi1>, vector<4x8x128xf32>
    %add3A_1013 = arith.addf %add3A_1004, %select_n3A_1012 : vector<4x8x128xf32>
    %add3A_1014 = arith.addf %max3A_837, %max3A_841 : vector<4x8x128xf32>
    %mul3A_1015 = arith.constant 5.000000e-01 : f32
    %mul3A_1016 = vector.broadcast %mul3A_1015 : f32 to vector<4x8x128xf32>
    %mul3A_1017 = arith.mulf %add3A_1014, %mul3A_1016 : vector<4x8x128xf32>
    %mul3A_1018 = arith.mulf %mul3A_1017, %max3A_625 : vector<4x8x128xf32>
    %jit3A_1019 = arith.constant 0.000000e+00 : f32
    %broadcast_in_dim3A_1020 = vector.broadcast %jit3A_1019 : f32 to vector<4x8x128xf32>
    %select_n3A_1021 = arith.select %le3A_286, %mul3A_1018, %broadcast_in_dim3A_1020 : vector<4x8x128xi1>, vector<4x8x128xf32>
    %add3A_1022 = arith.addf %add3A_1013, %select_n3A_1021 : vector<4x8x128xf32>
    %add3A_1023 = arith.addf %max3A_841, %max3A_845 : vector<4x8x128xf32>
    %mul3A_1024 = arith.constant 5.000000e-01 : f32
    %mul3A_1025 = vector.broadcast %mul3A_1024 : f32 to vector<4x8x128xf32>
    %mul3A_1026 = arith.mulf %add3A_1023, %mul3A_1025 : vector<4x8x128xf32>
    %mul3A_1027 = arith.mulf %mul3A_1026, %max3A_629 : vector<4x8x128xf32>
    %jit3A_1028 = arith.constant 0.000000e+00 : f32
    %broadcast_in_dim3A_1029 = vector.broadcast %jit3A_1028 : f32 to vector<4x8x128xf32>
    %select_n3A_1030 = arith.select %le3A_287, %mul3A_1027, %broadcast_in_dim3A_1029 : vector<4x8x128xi1>, vector<4x8x128xf32>
    %add3A_1031 = arith.addf %add3A_1022, %select_n3A_1030 : vector<4x8x128xf32>
    %add3A_1032 = arith.addf %max3A_845, %max3A_849 : vector<4x8x128xf32>
    %mul3A_1033 = arith.constant 5.000000e-01 : f32
    %mul3A_1034 = vector.broadcast %mul3A_1033 : f32 to vector<4x8x128xf32>
    %mul3A_1035 = arith.mulf %add3A_1032, %mul3A_1034 : vector<4x8x128xf32>
    %mul3A_1036 = arith.mulf %mul3A_1035, %max3A_633 : vector<4x8x128xf32>
    %jit3A_1037 = arith.constant 0.000000e+00 : f32
    %broadcast_in_dim3A_1038 = vector.broadcast %jit3A_1037 : f32 to vector<4x8x128xf32>
    %select_n3A_1039 = arith.select %le3A_288, %mul3A_1036, %broadcast_in_dim3A_1038 : vector<4x8x128xi1>, vector<4x8x128xf32>
    %add3A_1040 = arith.addf %add3A_1031, %select_n3A_1039 : vector<4x8x128xf32>
    %add3A_1041 = arith.addf %max3A_849, %max3A_853 : vector<4x8x128xf32>
    %mul3A_1042 = arith.constant 5.000000e-01 : f32
    %mul3A_1043 = vector.broadcast %mul3A_1042 : f32 to vector<4x8x128xf32>
    %mul3A_1044 = arith.mulf %add3A_1041, %mul3A_1043 : vector<4x8x128xf32>
    %mul3A_1045 = arith.mulf %mul3A_1044, %max3A_637 : vector<4x8x128xf32>
    %jit3A_1046 = arith.constant 0.000000e+00 : f32
    %broadcast_in_dim3A_1047 = vector.broadcast %jit3A_1046 : f32 to vector<4x8x128xf32>
    %select_n3A_1048 = arith.select %le3A_289, %mul3A_1045, %broadcast_in_dim3A_1047 : vector<4x8x128xi1>, vector<4x8x128xf32>
    %add3A_1049 = arith.addf %add3A_1040, %select_n3A_1048 : vector<4x8x128xf32>
    %add3A_1050 = arith.addf %max3A_853, %max3A_857 : vector<4x8x128xf32>
    %mul3A_1051 = arith.constant 5.000000e-01 : f32
    %mul3A_1052 = vector.broadcast %mul3A_1051 : f32 to vector<4x8x128xf32>
    %mul3A_1053 = arith.mulf %add3A_1050, %mul3A_1052 : vector<4x8x128xf32>
    %mul3A_1054 = arith.mulf %mul3A_1053, %max3A_641 : vector<4x8x128xf32>
    %jit3A_1055 = arith.constant 0.000000e+00 : f32
    %broadcast_in_dim3A_1056 = vector.broadcast %jit3A_1055 : f32 to vector<4x8x128xf32>
    %select_n3A_1057 = arith.select %le3A_290, %mul3A_1054, %broadcast_in_dim3A_1056 : vector<4x8x128xi1>, vector<4x8x128xf32>
    %add3A_1058 = arith.addf %add3A_1049, %select_n3A_1057 : vector<4x8x128xf32>
    %add3A_1059 = arith.addf %max3A_857, %max3A_861 : vector<4x8x128xf32>
    %mul3A_1060 = arith.constant 5.000000e-01 : f32
    %mul3A_1061 = vector.broadcast %mul3A_1060 : f32 to vector<4x8x128xf32>
    %mul3A_1062 = arith.mulf %add3A_1059, %mul3A_1061 : vector<4x8x128xf32>
    %mul3A_1063 = arith.mulf %mul3A_1062, %max3A_645 : vector<4x8x128xf32>
    %jit3A_1064 = arith.constant 0.000000e+00 : f32
    %broadcast_in_dim3A_1065 = vector.broadcast %jit3A_1064 : f32 to vector<4x8x128xf32>
    %select_n3A_1066 = arith.select %le3A_291, %mul3A_1063, %broadcast_in_dim3A_1065 : vector<4x8x128xi1>, vector<4x8x128xf32>
    %add3A_1067 = arith.addf %add3A_1058, %select_n3A_1066 : vector<4x8x128xf32>
    %add3A_1068 = arith.addf %max3A_861, %max3A_865 : vector<4x8x128xf32>
    %mul3A_1069 = arith.constant 5.000000e-01 : f32
    %mul3A_1070 = vector.broadcast %mul3A_1069 : f32 to vector<4x8x128xf32>
    %mul3A_1071 = arith.mulf %add3A_1068, %mul3A_1070 : vector<4x8x128xf32>
    %mul3A_1072 = arith.mulf %mul3A_1071, %max3A_649 : vector<4x8x128xf32>
    %jit3A_1073 = arith.constant 0.000000e+00 : f32
    %broadcast_in_dim3A_1074 = vector.broadcast %jit3A_1073 : f32 to vector<4x8x128xf32>
    %select_n3A_1075 = arith.select %le3A_292, %mul3A_1072, %broadcast_in_dim3A_1074 : vector<4x8x128xi1>, vector<4x8x128xf32>
    %add3A_1076 = arith.addf %add3A_1067, %select_n3A_1075 : vector<4x8x128xf32>
    %add3A_1077 = arith.addf %max3A_865, %max3A_869 : vector<4x8x128xf32>
    %mul3A_1078 = arith.constant 5.000000e-01 : f32
    %mul3A_1079 = vector.broadcast %mul3A_1078 : f32 to vector<4x8x128xf32>
    %mul3A_1080 = arith.mulf %add3A_1077, %mul3A_1079 : vector<4x8x128xf32>
    %mul3A_1081 = arith.mulf %mul3A_1080, %max3A_653 : vector<4x8x128xf32>
    %jit3A_1082 = arith.constant 0.000000e+00 : f32
    %broadcast_in_dim3A_1083 = vector.broadcast %jit3A_1082 : f32 to vector<4x8x128xf32>
    %select_n3A_1084 = arith.select %le3A_293, %mul3A_1081, %broadcast_in_dim3A_1083 : vector<4x8x128xi1>, vector<4x8x128xf32>
    %add3A_1085 = arith.addf %add3A_1076, %select_n3A_1084 : vector<4x8x128xf32>
    %add3A_1086 = arith.addf %max3A_869, %max3A_873 : vector<4x8x128xf32>
    %mul3A_1087 = arith.constant 5.000000e-01 : f32
    %mul3A_1088 = vector.broadcast %mul3A_1087 : f32 to vector<4x8x128xf32>
    %mul3A_1089 = arith.mulf %add3A_1086, %mul3A_1088 : vector<4x8x128xf32>
    %mul3A_1090 = arith.mulf %mul3A_1089, %max3A_657 : vector<4x8x128xf32>
    %jit3A_1091 = arith.constant 0.000000e+00 : f32
    %broadcast_in_dim3A_1092 = vector.broadcast %jit3A_1091 : f32 to vector<4x8x128xf32>
    %select_n3A_1093 = arith.select %le3A_294, %mul3A_1090, %broadcast_in_dim3A_1092 : vector<4x8x128xi1>, vector<4x8x128xf32>
    %add3A_1094 = arith.addf %add3A_1085, %select_n3A_1093 : vector<4x8x128xf32>
    %add3A_1095 = arith.addf %max3A_873, %max3A_877 : vector<4x8x128xf32>
    %mul3A_1096 = arith.constant 5.000000e-01 : f32
    %mul3A_1097 = vector.broadcast %mul3A_1096 : f32 to vector<4x8x128xf32>
    %mul3A_1098 = arith.mulf %add3A_1095, %mul3A_1097 : vector<4x8x128xf32>
    %mul3A_1099 = arith.mulf %mul3A_1098, %max3A_661 : vector<4x8x128xf32>
    %jit3A_1100 = arith.constant 0.000000e+00 : f32
    %broadcast_in_dim3A_1101 = vector.broadcast %jit3A_1100 : f32 to vector<4x8x128xf32>
    %select_n3A_1102 = arith.select %le3A_295, %mul3A_1099, %broadcast_in_dim3A_1101 : vector<4x8x128xi1>, vector<4x8x128xf32>
    %add3A_1103 = arith.addf %add3A_1094, %select_n3A_1102 : vector<4x8x128xf32>
    %mul3A_1104 = arith.mulf %min3A_405, %min3A_405 : vector<4x8x128xf32>
    %mul3A_1105 = arith.constant 5.000000e-01 : f32
    %mul3A_1106 = vector.broadcast %mul3A_1105 : f32 to vector<4x8x128xf32>
    %mul3A_1107 = arith.mulf %mul3A_1104, %mul3A_1106 : vector<4x8x128xf32>
    %sub3A_1108 = arith.subf %select_n3A_921, %select_n3A_920 : vector<4x8x128xf32>
    %mul3A_1109 = arith.mulf %mul3A_1107, %sub3A_1108 : vector<4x8x128xf32>
    %mul3A_1110 = arith.mulf %mul3A_1109, %max3A_398 : vector<4x8x128xf32>
    %mul3A_1111 = arith.mulf %min3A_405, %select_n3A_920 : vector<4x8x128xf32>
    %mul3A_1112 = arith.mulf %mul3A_1111, %max3A_398 : vector<4x8x128xf32>
    %add3A_1113 = arith.addf %mul3A_1110, %mul3A_1112 : vector<4x8x128xf32>
    %add3A_1114 = arith.addf %add3A_1113, %add3A_1103 : vector<4x8x128xf32>
    %jit3A_1115 = arith.constant 1.1920929E-7 : f32
    %jit3A_1116 = arith.constant 0.99999988 : f32
    %max3A_1117 = vector.broadcast %jit3A_1115 : f32 to vector<4x8x128xf32>
    %max3A_1118 = arith.maximumf %max3A_1117, %add3A_1114 : vector<4x8x128xf32>
    %min3A_1119 = vector.broadcast %jit3A_1116 : f32 to vector<4x8x128xf32>
    %min3A_1120 = arith.minimumf %min3A_1119, %max3A_1118 : vector<4x8x128xf32>
    %swap3A = arith.constant 0 : index
    %swap3A_1121 = arith.constant 0 : index
    %swap3A_1122 = arith.constant 0 : index
    %swap3A_1123 = arith.constant 0 : index
    %swap3A_1124 = vector.load %arg4[%swap3A, %swap3A_1121, %swap3A_1122, %swap3A_1123] : memref<1x4x8x128xf32, #tpu.memory_space<vmem>>, vector<1x4x8x128xf32>
    %swap3A_1125 = vector.shape_cast %swap3A_1124 : vector<1x4x8x128xf32> to vector<4x8x128xf32>
    %swap3A_1126 = vector.shape_cast %min3A_1120 : vector<4x8x128xf32> to vector<1x4x8x128xf32>
    tpu.vector_store %arg4[%swap3A, %swap3A_1121, %swap3A_1122, %swap3A_1123], %swap3A_1126 {strides = array<i32>} : memref<1x4x8x128xf32, #tpu.memory_space<vmem>>, vector<1x4x8x128xf32>,
    %sub3A_1127 = arith.subf %select_n3A_921, %select_n3A_920 : vector<4x8x128xf32>
    %mul3A_1128 = arith.mulf %min3A_405, %sub3A_1127 : vector<4x8x128xf32>
    %add3A_1129 = arith.addf %select_n3A_920, %mul3A_1128 : vector<4x8x128xf32>
    %log3A = math.log %add3A_1129 : vector<4x8x128xf32>
    %eq3A = arith.constant 0 : i32
    %eq3A_1130 = arith.cmpi eq, %arg1, %eq3A : i32
    %convert_element_type3A = arith.extui %eq3A_1130 : i1 to i32
    %cond3A = arith.constant 0 : i32
    %cond3A_1131 = arith.cmpi ne, %convert_element_type3A, %cond3A : i32
    scf.if %cond3A_1131 {
      %swap3A_1136 = arith.constant 0 : index
      %swap3A_1137 = arith.constant 0 : index
      %swap3A_1138 = arith.constant 0 : index
      %swap3A_1139 = vector.load %arg5[%swap3A_1136, %swap3A_1137, %swap3A_1138] : memref<4x8x128xf32, #tpu.memory_space<vmem>>, vector<4x8x128xf32>
      tpu.vector_store %arg5[%swap3A_1136, %swap3A_1137, %swap3A_1138], %log3A {strides = array<i32>} : memref<4x8x128xf32, #tpu.memory_space<vmem>>, vector<4x8x128xf32>,
    } else {
    }
    %ne3A = arith.constant 0 : i32
    %ne3A_1132 = arith.cmpi ne, %arg1, %ne3A : i32
    %convert_element_type3A_1133 = arith.extui %ne3A_1132 : i1 to i32
    %cond3A_1134 = arith.constant 0 : i32
    %cond3A_1135 = arith.cmpi ne, %convert_element_type3A_1133, %cond3A_1134 : i32
    scf.if %cond3A_1135 {
      %get3A_1136 = arith.constant 0 : index
      %get3A_1137 = arith.constant 0 : index
      %get3A_1138 = arith.constant 0 : index
      %get3A_1139 = vector.load %arg5[%get3A_1136, %get3A_1137, %get3A_1138] : memref<4x8x128xf32, #tpu.memory_space<vmem>>, vector<4x8x128xf32>
      %add3A_1140 = arith.addf %get3A_1139, %log3A : vector<4x8x128xf32>
      %swap3A_1141 = arith.constant 0 : index
      %swap3A_1142 = arith.constant 0 : index
      %swap3A_1143 = arith.constant 0 : index
      %swap3A_1144 = vector.load %arg5[%swap3A_1141, %swap3A_1142, %swap3A_1143] : memref<4x8x128xf32, #tpu.memory_space<vmem>>, vector<4x8x128xf32>
      tpu.vector_store %arg5[%swap3A_1141, %swap3A_1142, %swap3A_1143], %add3A_1140 {strides = array<i32>} : memref<4x8x128xf32, #tpu.memory_space<vmem>>, vector<4x8x128xf32>,
    } else {
    }
    return
  }
  func.func @transform_0(%arg0: i32, %arg1: i32) -> (i32, i32, i32, i32) {
    %c0_i32 = arith.constant 0 : i32
    %c0_i32_0 = arith.constant 0 : i32
    %c0_i32_1 = arith.constant 0 : i32
    return %arg1, %arg0, %c0_i32, %c0_i32_0 : i32, i32, i32, i32
  }
  func.func @transform_1(%arg0: i32, %arg1: i32) -> (i32, i32, i32, i32, i32) {
    %c0_i32 = arith.constant 0 : i32
    %c0_i32_0 = arith.constant 0 : i32
    %c0_i32_1 = arith.constant 0 : i32
    %c0_i32_2 = arith.constant 0 : i32
    return %c0_i32, %arg1, %arg0, %c0_i32_0, %c0_i32_1 : i32, i32, i32, i32, i32
  }
  func.func @transform_2(%arg0: i32, %arg1: i32) -> (i32, i32, i32, i32) {
    %c0_i32 = arith.constant 0 : i32
    %c0_i32_0 = arith.constant 0 : i32
    %c0_i32_1 = arith.constant 0 : i32
    return %arg1, %arg0, %c0_i32, %c0_i32_0 : i32, i32, i32, i32
  }
  func.func @transform_3(%arg0: i32, %arg1: i32) -> (i32, i32, i32) {
    %c0_i32 = arith.constant 0 : i32
    %c0_i32_0 = arith.constant 0 : i32
    %c0_i32_1 = arith.constant 0 : i32
    return %arg0, %c0_i32, %c0_i32_0 : i32, i32, i32
  }
}

</mosaic_0001>

<sc_bundles>
// kernel: sparse-core-data-format-call.cloned.1.call-start
scs
called_computation_lowered:
.L_overlay_start_0:
0x0: {  	s2 =	sld [smem:$0x3FD9]  }
0x1: {  	s3 =	sld [smem:$0x3FFE];
	_ =	sdelay $0x1  }
0x2: {  	s1 =	srdreg.scid  }
0x3: {  	s0 =	sand.u32 $0x1, s1  }
0x4: {  	s18 =	sshll.u32 s0, $0xA;
	s2 =	sadd.s32 s3, s2  }
0x5: {  	s2 =	sadd.s32 s2, s18  }
0x6: {  	[smem:$0x3FC6] =	sst s2  }
0x7: {  	_ = 	snop  }
0x8: {  	s2 =	sld [smem:$0x3FC8];
	(tm) =	ssettm $0x1  }
0x9: {  	s19 =	sld [smem:$0x3FFB];
	_ =	sdelay $0x3  }
0xa: {  	_ =	strace s19  }
0xb: {  	s3 =	sld [smem:$0x3FFC];
	_ =	sdelay $0x3  }
0xc: {  	_ =	strace s3  }
0xd: {  	s3 =	sld [smem:$0x3FFD];
	_ =	sdelay $0x3  }
0xe: {  	_ =	strace s3  }
0xf: {  	_ =	strace $0x8FFFFFFF  }
0x10: {  	s20 =	sld [smem:$0x3FDB];
	_ =	sdelay $0x1  }
0x11: {  	s4 =	simm.s32 $_scs_section_size  }
0x12: {  	s5 =	simm.s32 $_size__tile_overlayer_lowered;
	s6 =	simm.s32 $_tile_overlayer_lowered  }
0x13: {  	s23 =	simm.s32 $0x1BFF;
	s22 =	sshll.u32 s6, $0x1;
	s3 =	sadd.s32 s4, s20  }
0x14: {  	s7 =	simm.s32 $0x0;
	s21 =	sshll.u32 s5, $0x1;
	s5 =	sadd.s32 s22, s3  }
0x15: {  	[timem:s7], [sflag:s23] =	dma.local [hbm:s5], s21  }
0x16: {  	_ =	swait.ge [sflag:s23], s21  }
0x17: {  	s4 =	ssub.s32 $0x0, s21;
	[sflag:s23] =	ssyncset.done $0x0  }
0x18: {  	[sflag:s23] =	ssyncadd.s32 s4;
	_ =	sdelay $0x1  }
0x19: {  	s24 =	simm.s32 $0x1B8B  }
0x1a: {  	_ =	swait.ge [sflag:s24], $0x1  }
0x1b: {  	[sflag:s24] =	ssyncset.done $0x0  }
0x1c: {  	s26 =	simm.s32 $0x1B8E;
	s25 =	sld [smem:$0x3FFE];
	[sflag:s24] =	ssyncadd.s32 $0xFFFFFFFF  }
0x1d: {  	s27 =	simm.s32 $execute0_lowered;
	[smem:$0x3FD2] =	sst s26  }
0x1e: {  	s5 =	sshll.u32 s27, $0x1;
	_ =	strace $0x80000046;
	[dreg:$0x1] =	wrdreg $0xFFFFFFFF  }
0x1f: {  	s28 =	simm.s32 $_size_execute0_lowered;
	s3 =	sadd.s32 s3, s5;
	[dreg:$0x0] =	wrdreg $0x0  }
0x20: {  	s5 =	sshll.u32 s28, $0x1;
	[dreg:$0x2] =	wrdreg s3  }
0x21: {  	[dreg:$0x3] =	wrdreg s5  }
0x22: {  	[dreg:$0x4] =	wrdreg $0xC0  }
0x23: {  	_ =	task [dreg:s7], $0x5FFFF  }
0x24: {  	[dreg:$0x1] =	wrdreg $0xFFFFFFFF  }
0x25: {  	[dreg:$0x0] =	wrdreg $0x60  }
0x26: {  	[dreg:$0x2] =	wrdreg s2  }
0x27: {  	[dreg:$0x3] =	wrdreg s25  }
0x28: {  	[dreg:$0x4] =	wrdreg $0x9  }
0x29: {  	_ =	task.clear_ibuf [dreg:s7], $0x5FFFF;
	_ =	strace $0x90000046  }
0x2a: {  	s29 =	simm.s32 $0x9;
	_ =	strace $0x80000048  }
0x2b: {  	_ =	swait.ge [sflag:s29], $0x1  }
0x2c: {  	[sflag:s29] =	ssyncadd.s32 $0xFFFFFFFF  }
0x2d: {  	_ =	strace $0x90000048  }
0x2e: {  	_ =	sfence  }
0x2f: {  	s30 =	sld [smem:$0x0];
	_ =	sdelay $0x2  }
0x30: {  	s31 =	sshll.u32 s1, $0xD;
	s1 =	sshrl.u32 s1, $0x2  }
0x31: {  	s3 =	sand.u32 $0x4000, s31;
	s1 =	sadd.s32 s1, s30  }
0x32: {  	s0 =	sor.u32 s3, s0;
	s1 =	sshll.u32 s1, $0x11  }
0x33: {  	s0 =	sor.u32 s1, s0  }
0x34: {  	s0 =	sadd.s32 $0x8F2B, s0  }
0x35: {  	[sflag:s0] =	ssyncadd.remote.s32 $0x1  }
0x36: {  	_ =	sfence.sel $0xFFFF  }
0x37: {  	[dreg:$0x0] =	wrdreg $0xFFFFFFFF;
	(pc) =	sbr.abs _section_cstart, $3  }
0x38: {  	[dreg:$0x1] =	wrdreg $0xFFFFFFFF  }
0x39: {  	_ =	task.clear_ibuf [dreg:s7], $0x2FFFF;
	_ =	strace $0x9FFFFFFF  }
0x3a: {  	(tm) =	ssettm $0x7FFFFFFF  }
0x3b: {  	_ =	shalt  }
tec
execute0_lowered:
.L_overlay_start_1:
0x0: {  	(tag) =	ssettag $0x1  }
0x1: {  	s0 =	srdreg.scid  }
0x2: {  	s1 =	sshll.u32 s0, $0x4  }
0x3: {  	s7 =	rddreg [dreg:$0x0];
	s0 =	stileid.u32;
	s1 =	sand.u32 $0x10, s1  }
0x4: {  	s5 =	rddreg [dreg:$0x1];
	s6 =	sor.u32 s0, s1  }
0x5: {  	s4 =	simm.s32 $0x1;
	s31 =	simm.s32 $0x2;
	s2 =	sshll.u32 s6, $0x4  }
0x6: {  	s13 =	simm.s32 $0x0;
	s9 =	simm.s32 $0x10000;
	s3 =	ssub.s32 $0x200, s2  }
0x7: {  	s10 =	simm.s32 $0x0;
	s14 =	simm.s32 $0x0;
	s30 =	sand.u32 $0x1F0, s3  }
0x8: {  	s11 =	simm.s32 $0x0;
	s12 =	simm.s32 $0x0;
	p0 =	sne.s32 s30, $0x0  }
.Ltmp0:
0x9: {  	s8 =	sshrl.u32 s3, $0x9;
	s4 =	simm.s32 @!p0 $0x0;
	(pc) =	sbr.rel .LBB1_1-.Ltmp0, $4  }
0xa: {  	s1 =	rddreg [dreg:$0x2];
	_ =	strace $0x80000047;
	s4 =	sadd.s32 s4, s8  }
0xb: {  	s6 =	sshll.u32 s6, $0xB;
	s3 =	simm.s32 $0x1;
	s4 =	smul.u32 $0x56, s4  }
0xc: {  	s5 =	sadd.s32 $0x800, s5;
	s6 =	sadd.s32 s7, s6;
	[sflag:s3] =	ssyncpa.u1 $0x0  }
0xd: {  	[sflag:s31] =	ssyncpa.u1 $0x0;
	s8 =	simm.s32 $0x800;
	s7 =	sor.u32 $0x1, s4  }
.LBB1_7:
0xe: {  	s15 =	sadd.s32 $0x1, s11  }
0xf: {  	p1 =	sgt.s32 s15, $0x55  }
0x10: {  	s15 =	simm.s32 @p1 $0x0;
	p1 =	sne.s32 s12, s7  }
.Ltmp1:
0x11: {  	p0 =	slt.u32 s12, $0x2;
	(pc) =	sbr.rel @!p1 .LBB1_8-.Ltmp1, $4  }
0x12: {  	s13 =	simm.s32 @!p0 $0x2  }
0x13: {  	s16 =	sadd.s32 $0x1, s12;
	s14 =	smov.u32 s11;
	_ =	swait.ge @!p0 [sflag:s13], $0x4000  }
0x14: {  	s10 =	sadd.s32 $0x4000, s10;
	s12 =	smov.u32 s16;
	[sflag:s13] =	ssyncset.done @!p0 $0x0  }
0x15: {  	s11 =	smov.u32 s15;
	[sflag:s13] =	ssyncadd.s32 @!p0 $0xFFFFC000;
	s13 =	smov.u32 s2  }
.LBB1_1:
0x16: {  	p0 =	sge.u32 s12, s4  }
0x17: {  	s15 =	sxor.u32 @!p0 $0xFFFFFFFF, s12  }
0x18: {  	s31 =	sadd.s32 $0xFFFFFFFF, s12;
	s16 =	sshll.u32 @!p0 s11, $0x10;
	s15 =	sshll.u32 @!p0 s15, $0xE  }
0x19: {  	s17 =	simm.s32 @!p0 $0x0;
	s16 =	sadd.s32 @!p0 s16, s6;
	s15 =	sand.u32 @!p0 $0x4000, s15  }
0x1a: {  	[tilespmem:s15], [sflag:$0x1] =	stream.linear.gather @!p0 [hbm4b:s16+s17], $0x4000, $0x38;
	[tilespmem:$0x10000] =	vst v63  }
0x1b: {  	p0 =	sge.u32 s31, s4  }
.Ltmp2:
0x1c: {  	_ = 	snop;
	(pc) =	sbr.rel @p0 .LBB1_7-.Ltmp2, $1  }
0x1d: {  	_ =	sdelay $0x3  }
0x1e: {  	s16 =	sand.u32 $0x4000, s10  }
0x1f: {  	_ =	swait.ge [sflag:s3], $0x4000;
	s18 =	sshll.u32 s12, $0xE;
	s15 =	sor.u32 $0x8040, s16  }
0x20: {  	s17 =	sor.u32 $0x40, s16;
	[sflag:s3] =	ssyncset.done $0x0;
	s31 =	sand.u32 $0x4000, s18  }
0x21: {  	s18 =	simm.s32 $0x0;
	[sflag:s3] =	ssyncadd.s32 $0xFFFFC000;
	s16 =	sor.u32 $0x8000, s31  }
.LBB1_3:
0x22: {  	v0 =	vmov s17;
	_ =	sdelay $0x3  }
0x23: {  	s20 =	simm.s32 $0x0  }
0x24: {  	v6 =	vld.idx.msk [tilespmem:v0+s20+$0x30 ss:$0x1], $0xffff  }
0x25: {  	v7 =	vld.idx.msk [tilespmem:v0+s20+$0xFFFFFFC0 ss:$0x1], $0xffff  }
0x26: {  	v5 =	vld.idx.msk [tilespmem:v0+s20+$0xFFFFFFD0 ss:$0x1], $0xffff  }
0x27: {  	v4 =	vld.idx.msk [tilespmem:v0+s20+$0xFFFFFFE0 ss:$0x1], $0xffff  }
0x28: {  	v3 =	vld.idx.msk [tilespmem:v0+s20+$0xFFFFFFF0 ss:$0x1], $0xffff  }
0x29: {  	v1 =	vld.idx.msk [tilespmem:v0+s20+$0x0 ss:$0x1], $0xffff  }
0x2a: {  	v2 =	vld.idx.msk [tilespmem:v0+s20+$0x10 ss:$0x1], $0xffff;
	[tilespmem:s15+$0x30] =	vst v6  }
0x2b: {  	s19 =	simm.s32 $0x80;
	s21 =	simm.s32 $0x400;
	[tilespmem:s15+$0xFFFFFFC0] =	vst v7;
	v6 =	vld.idx.msk [tilespmem:v0+s20+$0x20 ss:$0x1], $0xffff;
	s20 =	smov.u32 s15  }
.LBB1_4:
0x2c: {  	p0 =	sne.s32 s21, $0xE00;
	v7 =	vld.idx.msk [tilespmem:v0+s19+$0x30 ss:$0x1], $0xffff;
	[tilespmem:s20+$0xFFFFFFD0] =	vst v5  }
0x2d: {  	v8 =	vld.idx.msk [tilespmem:v0+s19+$0xFFFFFFC0 ss:$0x1], $0xffff;
	[tilespmem:s20+$0xFFFFFFE0] =	vst v4  }
0x2e: {  	v5 =	vld.idx.msk [tilespmem:v0+s19+$0xFFFFFFD0 ss:$0x1], $0xffff;
	[tilespmem:s20+$0xFFFFFFF0] =	vst v3  }
.Ltmp3:
0x2f: {  	v4 =	vld.idx.msk [tilespmem:v0+s19+$0xFFFFFFE0 ss:$0x1], $0xffff;
	[tilespmem:s20+$0x0] =	vst v1;
	(pc) =	sbr.rel @p0 .LBB1_4-.Ltmp3, $4  }
0x30: {  	v3 =	vld.idx.msk [tilespmem:v0+s19+$0xFFFFFFF0 ss:$0x1], $0xffff;
	[tilespmem:s20+$0x10] =	vst v2  }
0x31: {  	v1 =	vld.idx.msk [tilespmem:v0+s19+$0x0 ss:$0x1], $0xffff;
	[tilespmem:s20+$0x20] =	vst v6;
	s20 =	sadd.s32 $0x800, s20  }
0x32: {  	v2 =	vld.idx.msk [tilespmem:v0+s19+$0x10 ss:$0x1], $0xffff;
	[tilespmem:s20+$0x30] =	vst v7  }
0x33: {  	[tilespmem:s20+$0xFFFFFFC0] =	vst v8;
	v6 =	vld.idx.msk [tilespmem:v0+s19+$0x20 ss:$0x1], $0xffff;
	s19 =	sshra.s32 s21, $0x2;
	s21 =	sadd.s32 $0x200, s21  }
0x34: {  	_ =	sdelay $0x2  }
0x35: {  	[tilespmem:s20+$0xFFFFFFD0] =	vst v5  }
0x36: {  	v56 =	vld.idx.msk [tilespmem:v0+s19+$0x30 ss:$0x1], $0xffff;
	[tilespmem:s20+$0xFFFFFFE0] =	vst v4  }
0x37: {  	v57 =	vld.idx.msk [tilespmem:v0+s19+$0xFFFFFFC0 ss:$0x1], $0xffff;
	[tilespmem:s20+$0xFFFFFFF0] =	vst v3  }
0x38: {  	v58 =	vld.idx.msk [tilespmem:v0+s19+$0xFFFFFFD0 ss:$0x1], $0xffff;
	[tilespmem:s20+$0x0] =	vst v1  }
0x39: {  	v59 =	vld.idx.msk [tilespmem:v0+s19+$0xFFFFFFE0 ss:$0x1], $0xffff;
	[tilespmem:s20+$0x10] =	vst v2  }
0x3a: {  	v60 =	vld.idx.msk [tilespmem:v0+s19+$0xFFFFFFF0 ss:$0x1], $0xffff;
	s31 =	sadd.s32 $0x800, s20;
	[tilespmem:s20+$0x20] =	vst v6  }
0x3b: {  	v61 =	vld.idx.msk [tilespmem:v0+s19+$0x0 ss:$0x1], $0xffff;
	[tilespmem:s31+$0x30] =	vst v56  }
0x3c: {  	v62 =	vld.idx.msk [tilespmem:v0+s19+$0x10 ss:$0x1], $0xffff;
	s18 =	sadd.s32 $0x1, s18;
	[tilespmem:s31+$0xFFFFFFC0] =	vst v57  }
0x3d: {  	v63 =	vld.idx.msk [tilespmem:v0+s19+$0x20 ss:$0x1], $0xffff;
	p0 =	sne.s32 s18, $0x10;
	[tilespmem:s31+$0xFFFFFFD0] =	vst v58  }
.Ltmp4:
0x3e: {  	[tilespmem:s31+$0xFFFFFFE0] =	vst v59;
	(pc) =	sbr.rel @p0 .LBB1_3-.Ltmp4, $4  }
0x3f: {  	[tilespmem:s31+$0xFFFFFFF0] =	vst v60  }
0x40: {  	[tilespmem:s31+$0x0] =	vst v61  }
0x41: {  	[tilespmem:s31+$0x10] =	vst v62  }
0x42: {  	s15 =	sadd.s32 $0x80, s15;
	s17 =	sadd.s32 $0x400, s17;
	[tilespmem:s31+$0x20] =	vst v63  }
.Ltmp5:
0x43: {  	(pc) =	sbr.rel .LBB1_7-.Ltmp5, $4  }
0x44: {  	s14 =	sshll.u32 s14, $0x10;
	s13 =	sshll.u32 s13, $0x4  }
0x45: {  	s13 =	sand.u32 $0x1F00, s13;
	s14 =	sadd.s32 s5, s14  }
0x46: {  	s13 =	sadd.s32 s13, s14  }
0x47: {  	[hbm4b:s13+s8] =	stream.strided.scatter [tilespmem:s16], [sflag:$0x2], $0x4000, s9, s8, $0x38;
	[tilespmem:$0x10000] =	vst v63  }
.LBB1_8:
0x48: {  	_ =	sfence.sel $0x180000  }
0x49: {  	s2 =	simm.s32 $0x1;
	[bflag:$0x0] =	sbarrier.arrive $0xFFFF  }
0x4a: {  	s31 =	simm.s32 $0x2;
	[sflag:s2] =	ssyncpa.u1 $0x1  }
0x4b: {  	[sflag:s31] =	ssyncpa.u1 $0x1  }
0x4c: {  	p0 =	sne.s32 s0, $0x0;
	_ =	strace $0x90000047  }
0x4d: {  	s0 =	sadd.s32 @!p0 $0x100000, s1;
	[bflag:$0x2] =	sbarrier.arrive $0xFFFF  }
0x4e: {  	[sflag:s0] =	ssyncadd.tile.s32 @!p0 $0x1;
	_ =	shalt  }
.Lfunc_end1:
_tile_overlayer_lowered:
.L_overlay_start_2:
0x4f: {  	(tag) =	ssettag $0x2  }
0x50: {  	s0 =	rddreg [dreg:$0x0];
	s2 =	stileid.u32  }
0x51: {  	s1 =	rddreg [dreg:$0x1];
	p0 =	sne.s32 s2, $0x0  }
0x52: {  	s3 =	rddreg [dreg:$0x2];
	[bflag:$0x3] =	sbarrier.arrive $0xFFFF;
	s2 =	simm.s32 @!p0 $0x1C01  }
0x53: {  	[timem:s3], [sflag:s2] =	dma.local @!p0 [hbm:s0], s1  }
0x54: {  	s0 =	simm.s32 @!p0 $0x1  }
0x55: {  	_ =	swait.ge @!p0 [sflag:s0], s1  }
0x56: {  	s1 =	ssub.s32 @!p0 $0x0, s1;
	[sflag:s0] =	ssyncset.done @!p0 $0x0  }
0x57: {  	[sflag:s0] =	ssyncadd.s32 @!p0 s1  }
0x58: {  	[bflag:$0x3] =	sbarrier.arrive $0xFFFF  }
0x59: {  	_ =	shalt  }

</sc_bundles>
